<compile_context>
chip_gen: v7x
topology: tpu7x:2x2x1
jax: 0.10.2.dev20260603
libtpu: 0.0.44.dev20260713+nightly
codegen_flags: <defaults>
</compile_context>

<pallas_src>
import functools

import jax
import jax.numpy as jnp
from jax import lax
from jax.experimental import pallas as pl
from jax.experimental.pallas import tpu as pltpu
from jax.experimental.pallas import tpu_sc as plsc

VOCAB = 1000000
EMBED_DIM = 64
IN_FEATURES = 128
OUT_FEATURES = 4
BATCH = 4096
SEQ = 200
TOKENS = 2 * SEQ
C0, C1 = 128, SEQ - 128
NC, NS = 2, 16
NW = NC * NS
B_PER_W = BATCH // NW


def _sc_pool(table2, premise, hypothesis):
    mesh = plsc.VectorSubcoreMesh(core_axis_name="c", subcore_axis_name="s")

    @functools.partial(
        pl.kernel,
        mesh=mesh,
        compiler_params=pltpu.CompilerParams(use_tc_tiling_on_sc=False),
        out_type=jax.ShapeDtypeStruct((BATCH, EMBED_DIM), jnp.float32),
        scratch_types=[
            pltpu.VMEM((B_PER_W, SEQ), jnp.int32),
            pltpu.VMEM((B_PER_W, SEQ), jnp.int32),
            pltpu.VMEM((TOKENS, EMBED_DIM), jnp.float32),
            pltpu.VMEM((TOKENS, EMBED_DIM), jnp.float32),
            pltpu.VMEM((B_PER_W, EMBED_DIM), jnp.float32),
            pltpu.SemaphoreType.DMA,
            pltpu.SemaphoreType.DMA,
        ],
    )
    def pool(table_hbm, p_hbm, h_hbm, out_hbm,
             idxp_v, idxh_v, rows0_v, rows1_v, out_v, sem0, sem1):
        wid = lax.axis_index("s") * NC + lax.axis_index("c")
        base = wid * B_PER_W

        pltpu.sync_copy(p_hbm.at[pl.ds(base, B_PER_W)], idxp_v)
        pltpu.sync_copy(h_hbm.at[pl.ds(base, B_PER_W)], idxh_v)

        def fire(b, buf, sem):
            for iv, off in ((idxp_v, 0), (idxh_v, SEQ)):
                pltpu.async_copy(table_hbm.at[iv.at[b, pl.ds(0, C0)]],
                                 buf.at[pl.ds(off, C0)], sem)
                pltpu.async_copy(table_hbm.at[iv.at[b, pl.ds(C0, C1)]],
                                 buf.at[pl.ds(off + C0, C1)], sem)

        def drain(buf, sem):
            for off in (0, SEQ):
                pltpu.make_async_copy(table_hbm.at[idxp_v.at[0, pl.ds(0, C0)]],
                                      buf.at[pl.ds(off, C0)], sem).wait()
                pltpu.make_async_copy(table_hbm.at[idxp_v.at[0, pl.ds(C0, C1)]],
                                      buf.at[pl.ds(off + C0, C1)], sem).wait()

        def accumulate(b, buf):
            def add4(j, accs):
                a = list(accs)
                r = j * 8
                for k in range(8):
                    s = 4 * (k & 1)
                    a[s + 0] = a[s + 0] + buf[r + k, pl.ds(0, 16)]
                    a[s + 1] = a[s + 1] + buf[r + k, pl.ds(16, 16)]
                    a[s + 2] = a[s + 2] + buf[r + k, pl.ds(32, 16)]
                    a[s + 3] = a[s + 3] + buf[r + k, pl.ds(48, 16)]
                return tuple(a)

            z = jnp.zeros((16,), jnp.float32)
            a = lax.fori_loop(0, TOKENS // 8, add4, (z,) * 8)
            out_v[b, pl.ds(0, 16)] = a[0] + a[4]
            out_v[b, pl.ds(16, 16)] = a[1] + a[5]
            out_v[b, pl.ds(32, 16)] = a[2] + a[6]
            out_v[b, pl.ds(48, 16)] = a[3] + a[7]

        fire(0, rows0_v, sem0)

        def pair_body(g, carry):
            b0 = 2 * g
            fire(b0 + 1, rows1_v, sem1)
            drain(rows0_v, sem0)
            accumulate(b0, rows0_v)

            @pl.when(g < B_PER_W // 2 - 1)
            def _():
                fire(b0 + 2, rows0_v, sem0)

            drain(rows1_v, sem1)
            accumulate(b0 + 1, rows1_v)
            return carry

        lax.fori_loop(0, B_PER_W // 2, pair_body, 0)
        pltpu.sync_copy(out_v, out_hbm.at[pl.ds(base, B_PER_W)])

    return pool(table2, premise, hypothesis)


def _mlp_body(x_ref, w1_ref, b1_ref, w2_ref, b2_ref, o_ref):
    x = x_ref[...] * (1.0 / float(TOKENS))
    h = jnp.dot(x, w1_ref[...], preferred_element_type=jnp.float32)
    h = jnp.maximum(h + b1_ref[...], 0.0)
    o = jnp.dot(h, w2_ref[...], preferred_element_type=jnp.float32)
    o_ref[...] = o + b2_ref[...]


def _mlp(sums, W1, b1, W2, b2):
    return pl.pallas_call(
        _mlp_body,
        out_shape=jax.ShapeDtypeStruct((BATCH, OUT_FEATURES), jnp.float32),
    )(sums, W1, b1.reshape(1, IN_FEATURES), W2, b2.reshape(1, OUT_FEATURES))


@jax.jit
def kernel(premise, hypothesis, table, W1, b1, W2, b2):
    table2 = jnp.pad(table, ((0, 0), (0, EMBED_DIM))).reshape(2 * VOCAB, EMBED_DIM)
    p2 = premise.astype(jnp.int32) * 2
    h2 = hypothesis.astype(jnp.int32) * 2
    sums = _sc_pool(table2, p2, h2)
    return _mlp(sums, W1, b1, W2, b2)

# --- scband reference (transcript-rebuilt; emitter-appended) ---
"""Pipeline reference for scband-word-avg-773094113454 (READ-ONLY COPY).

The authoritative reference and input builder live on the scoring server;
editing this copy changes nothing except your own understanding.
"""

import jax, jax.numpy as jnp
import numpy as np

VOCAB = 1000000
EMBED_DIM = 64
IN_FEATURES = 128
OUT_FEATURES = 4
BATCH = 4096
SEQ = 200

def setup_inputs(seed: int = 0) -> dict:
    key = jax.random.key(seed)
    k1, k2, k3, k4, k5, k6, k7 = jax.random.split(key, 7)
    premise = jax.random.randint(k1, (BATCH, SEQ), 0, VOCAB, dtype=jnp.int64 if jax.config.jax_enable_x64 else jnp.int32)
    hypothesis = jax.random.randint(k2, (BATCH, SEQ), 0, VOCAB, dtype=jnp.int64 if jax.config.jax_enable_x64 else jnp.int32)
    table = jax.random.normal(k3, (VOCAB, EMBED_DIM), dtype=jnp.float32)
    W1 = jax.random.normal(k4, (EMBED_DIM, IN_FEATURES), dtype=jnp.float32) * (1.0 / np.sqrt(EMBED_DIM))
    b1 = jax.random.normal(k5, (IN_FEATURES,), dtype=jnp.float32) * 0.01
    W2 = jax.random.normal(k6, (IN_FEATURES, OUT_FEATURES), dtype=jnp.float32) * (1.0 / np.sqrt(IN_FEATURES))
    b2 = jax.random.normal(k7, (OUT_FEATURES,), dtype=jnp.float32) * 0.01
    return {"premise": premise, "hypothesis": hypothesis, "table": table, "W1": W1, "b1": b1, "W2": W2, "b2": b2}

def reference(premise, hypothesis, table, W1, b1, W2, b2):
    x = jnp.concatenate((premise, hypothesis), axis=-1)  # [B, 2*SEQ]
    embedding = jnp.take(table, x, axis=0)               # [B, 2*SEQ, D] gather
    x = jnp.mean(embedding, axis=1)                      # [B, D]
    x = jax.nn.relu(x @ W1 + b1)                         # [B, IN_FEATURES]
    x = x @ W2 + b2                                      # [B, OUT_FEATURES]
    return x

if __name__ == "__main__":
    import jax
    _d = setup_inputs()
    print(jax.jit(kernel)(*tuple(_d.values())))

</pallas_src>

<mosaic_0001>
#map = affine_map<(d0, d1) -> (0, 0)>
module attributes {stable_mosaic.version = 14 : i64} {
  func.func @pool(%arg0: i32, %arg1: i32, %arg2: memref<2000000x64xf32, #tpu.memory_space<hbm>>, %arg3: memref<4096x200xi32, #tpu.memory_space<hbm>>, %arg4: memref<4096x200xi32, #tpu.memory_space<hbm>>, %arg5: memref<4096x64xf32, #tpu.memory_space<hbm>>, %arg6: memref<128x200xi32, #tpu.memory_space<vmem>>, %arg7: memref<128x200xi32, #tpu.memory_space<vmem>>, %arg8: memref<400x64xf32, #tpu.memory_space<vmem>>, %arg9: memref<400x64xf32, #tpu.memory_space<vmem>>, %arg10: memref<128x64xf32, #tpu.memory_space<vmem>>, %arg11: memref<!tpu.dma_semaphore, #tpu.memory_space<semaphore_mem>>, %arg12: memref<!tpu.dma_semaphore, #tpu.memory_space<semaphore_mem>>) attributes {dimension_semantics = [#tpu.dimension_semantics<core_parallel>, #tpu.dimension_semantics<subcore_parallel>], iteration_bounds = array<i64: 2, 16>, scalar_prefetch = 0 : i64, scratch_operands = 7 : i64, tpu.core_type = #tpu.core_type<sc_vector_subcore>, window_params = [{transform_indices = #map}, {transform_indices = #map}, {transform_indices = #map}, {transform_indices = #map}]} {
    %mul3A = arith.constant 2 : i32
    %mul3A_0 = arith.muli %arg1, %mul3A : i32
    %add3A = arith.addi %mul3A_0, %arg0 : i32
    %mul3A_1 = arith.constant 128 : i32
    %mul3A_2 = arith.muli %add3A, %mul3A_1 : i32
    "tpu.region"() ({
      %run_scoped3A = tpu.sem_alloc : memref<!tpu.dma_semaphore, #tpu.memory_space<semaphore_mem>>
      %dma_start3A_47 = arith.constant 0 : i32
      %dma_start3A_48 = tpu.memref_slice %arg3[%mul3A_2, %dma_start3A_47] : memref<4096x200xi32, #tpu.memory_space<hbm>> -> memref<128x200xi32, #tpu.memory_space<hbm>>
      %dma_start3A_49 = arith.constant 0 : i32
      %dma_start3A_50 = tpu.memref_slice %arg3[%mul3A_2, %dma_start3A_49] : memref<4096x200xi32, #tpu.memory_space<hbm>> -> memref<128x200xi32, #tpu.memory_space<hbm>>
      tpu.enqueue_dma source(%dma_start3A_50 : memref<128x200xi32, #tpu.memory_space<hbm>>) target(%arg6 : memref<128x200xi32, #tpu.memory_space<vmem>>) target_semaphore(%run_scoped3A : memref<!tpu.dma_semaphore, #tpu.memory_space<semaphore_mem>>)
      %dma_wait3A = arith.constant 0 : i32
      %dma_wait3A_51 = tpu.memref_slice %arg3[%mul3A_2, %dma_wait3A] : memref<4096x200xi32, #tpu.memory_space<hbm>> -> memref<128x200xi32, #tpu.memory_space<hbm>>
      %dma_wait3A_52 = arith.constant 0 : i32
      %dma_wait3A_53 = tpu.memref_slice %arg3[%mul3A_2, %dma_wait3A_52] : memref<4096x200xi32, #tpu.memory_space<hbm>> -> memref<128x200xi32, #tpu.memory_space<hbm>>
      tpu.wait_dma2 semaphore(%run_scoped3A : memref<!tpu.dma_semaphore, #tpu.memory_space<semaphore_mem>>) src(%dma_wait3A_53 : memref<128x200xi32, #tpu.memory_space<hbm>>) dst(%arg6 : memref<128x200xi32, #tpu.memory_space<vmem>>)
      tpu.yield
    }) : () -> ()
    "tpu.region"() ({
      %run_scoped3A = tpu.sem_alloc : memref<!tpu.dma_semaphore, #tpu.memory_space<semaphore_mem>>
      %dma_start3A_47 = arith.constant 0 : i32
      %dma_start3A_48 = tpu.memref_slice %arg4[%mul3A_2, %dma_start3A_47] : memref<4096x200xi32, #tpu.memory_space<hbm>> -> memref<128x200xi32, #tpu.memory_space<hbm>>
      %dma_start3A_49 = arith.constant 0 : i32
      %dma_start3A_50 = tpu.memref_slice %arg4[%mul3A_2, %dma_start3A_49] : memref<4096x200xi32, #tpu.memory_space<hbm>> -> memref<128x200xi32, #tpu.memory_space<hbm>>
      tpu.enqueue_dma source(%dma_start3A_50 : memref<128x200xi32, #tpu.memory_space<hbm>>) target(%arg7 : memref<128x200xi32, #tpu.memory_space<vmem>>) target_semaphore(%run_scoped3A : memref<!tpu.dma_semaphore, #tpu.memory_space<semaphore_mem>>)
      %dma_wait3A = arith.constant 0 : i32
      %dma_wait3A_51 = tpu.memref_slice %arg4[%mul3A_2, %dma_wait3A] : memref<4096x200xi32, #tpu.memory_space<hbm>> -> memref<128x200xi32, #tpu.memory_space<hbm>>
      %dma_wait3A_52 = arith.constant 0 : i32
      %dma_wait3A_53 = tpu.memref_slice %arg4[%mul3A_2, %dma_wait3A_52] : memref<4096x200xi32, #tpu.memory_space<hbm>> -> memref<128x200xi32, #tpu.memory_space<hbm>>
      tpu.wait_dma2 semaphore(%run_scoped3A : memref<!tpu.dma_semaphore, #tpu.memory_space<semaphore_mem>>) src(%dma_wait3A_53 : memref<128x200xi32, #tpu.memory_space<hbm>>) dst(%arg7 : memref<128x200xi32, #tpu.memory_space<vmem>>)
      tpu.yield
    }) : () -> ()
    %dma_start3A = arith.constant 0 : i32
    %dma_start3A_3 = arith.constant 0 : i32
    %dma_start3A_4 = arith.constant 0 : i32
    %dma_start3A_5 = tpu.memref_slice %arg8[%dma_start3A_3, %dma_start3A_4] : memref<400x64xf32, #tpu.memory_space<vmem>> -> memref<128x64xf32, #tpu.memory_space<vmem>>
    %dma_start3A_6 = arith.constant 0 : i32
    %dma_start3A_7 = tpu.memref_slice %arg6[%dma_start3A, %dma_start3A_6] : memref<128x200xi32, #tpu.memory_space<vmem>> -> memref<1x128xi32, #tpu.memory_space<vmem>>
    %dma_start3A_8 = tpu.memref_squeeze %dma_start3A_7 : memref<1x128xi32, #tpu.memory_space<vmem>> -> memref<128xi32, #tpu.memory_space<vmem>>
    %dma_start3A_9 = arith.constant 0 : i32
    %dma_start3A_10 = arith.constant 0 : i32
    %dma_start3A_11 = tpu.memref_slice %arg2[%dma_start3A_9, %dma_start3A_10] : memref<2000000x64xf32, #tpu.memory_space<hbm>> -> memref<2000000x64xf32, #tpu.memory_space<hbm>>
    tpu.enqueue_indirect_dma source(%dma_start3A_11 : memref<2000000x64xf32, #tpu.memory_space<hbm>>) target(%dma_start3A_5 : memref<128x64xf32, #tpu.memory_space<vmem>>) offsets(%dma_start3A_8 : memref<128xi32, #tpu.memory_space<vmem>>) semaphore(%arg11 : memref<!tpu.dma_semaphore, #tpu.memory_space<semaphore_mem>>)
    %dma_start3A_12 = arith.constant 0 : i32
    %dma_start3A_13 = arith.constant 128 : i32
    %dma_start3A_14 = arith.constant 0 : i32
    %dma_start3A_15 = tpu.memref_slice %arg8[%dma_start3A_13, %dma_start3A_14] : memref<400x64xf32, #tpu.memory_space<vmem>> -> memref<72x64xf32, #tpu.memory_space<vmem>>
    %dma_start3A_16 = arith.constant 128 : i32
    %dma_start3A_17 = tpu.memref_slice %arg6[%dma_start3A_12, %dma_start3A_16] : memref<128x200xi32, #tpu.memory_space<vmem>> -> memref<1x72xi32, #tpu.memory_space<vmem>>
    %dma_start3A_18 = tpu.memref_squeeze %dma_start3A_17 : memref<1x72xi32, #tpu.memory_space<vmem>> -> memref<72xi32, #tpu.memory_space<vmem>>
    %dma_start3A_19 = arith.constant 0 : i32
    %dma_start3A_20 = arith.constant 0 : i32
    %dma_start3A_21 = tpu.memref_slice %arg2[%dma_start3A_19, %dma_start3A_20] : memref<2000000x64xf32, #tpu.memory_space<hbm>> -> memref<2000000x64xf32, #tpu.memory_space<hbm>>
    tpu.enqueue_indirect_dma source(%dma_start3A_21 : memref<2000000x64xf32, #tpu.memory_space<hbm>>) target(%dma_start3A_15 : memref<72x64xf32, #tpu.memory_space<vmem>>) offsets(%dma_start3A_18 : memref<72xi32, #tpu.memory_space<vmem>>) semaphore(%arg11 : memref<!tpu.dma_semaphore, #tpu.memory_space<semaphore_mem>>)
    %dma_start3A_22 = arith.constant 0 : i32
    %dma_start3A_23 = arith.constant 200 : i32
    %dma_start3A_24 = arith.constant 0 : i32
    %dma_start3A_25 = tpu.memref_slice %arg8[%dma_start3A_23, %dma_start3A_24] : memref<400x64xf32, #tpu.memory_space<vmem>> -> memref<128x64xf32, #tpu.memory_space<vmem>>
    %dma_start3A_26 = arith.constant 0 : i32
    %dma_start3A_27 = tpu.memref_slice %arg7[%dma_start3A_22, %dma_start3A_26] : memref<128x200xi32, #tpu.memory_space<vmem>> -> memref<1x128xi32, #tpu.memory_space<vmem>>
    %dma_start3A_28 = tpu.memref_squeeze %dma_start3A_27 : memref<1x128xi32, #tpu.memory_space<vmem>> -> memref<128xi32, #tpu.memory_space<vmem>>
    %dma_start3A_29 = arith.constant 0 : i32
    %dma_start3A_30 = arith.constant 0 : i32
    %dma_start3A_31 = tpu.memref_slice %arg2[%dma_start3A_29, %dma_start3A_30] : memref<2000000x64xf32, #tpu.memory_space<hbm>> -> memref<2000000x64xf32, #tpu.memory_space<hbm>>
    tpu.enqueue_indirect_dma source(%dma_start3A_31 : memref<2000000x64xf32, #tpu.memory_space<hbm>>) target(%dma_start3A_25 : memref<128x64xf32, #tpu.memory_space<vmem>>) offsets(%dma_start3A_28 : memref<128xi32, #tpu.memory_space<vmem>>) semaphore(%arg11 : memref<!tpu.dma_semaphore, #tpu.memory_space<semaphore_mem>>)
    %dma_start3A_32 = arith.constant 0 : i32
    %dma_start3A_33 = arith.constant 328 : i32
    %dma_start3A_34 = arith.constant 0 : i32
    %dma_start3A_35 = tpu.memref_slice %arg8[%dma_start3A_33, %dma_start3A_34] : memref<400x64xf32, #tpu.memory_space<vmem>> -> memref<72x64xf32, #tpu.memory_space<vmem>>
    %dma_start3A_36 = arith.constant 128 : i32
    %dma_start3A_37 = tpu.memref_slice %arg7[%dma_start3A_32, %dma_start3A_36] : memref<128x200xi32, #tpu.memory_space<vmem>> -> memref<1x72xi32, #tpu.memory_space<vmem>>
    %dma_start3A_38 = tpu.memref_squeeze %dma_start3A_37 : memref<1x72xi32, #tpu.memory_space<vmem>> -> memref<72xi32, #tpu.memory_space<vmem>>
    %dma_start3A_39 = arith.constant 0 : i32
    %dma_start3A_40 = arith.constant 0 : i32
    %dma_start3A_41 = tpu.memref_slice %arg2[%dma_start3A_39, %dma_start3A_40] : memref<2000000x64xf32, #tpu.memory_space<hbm>> -> memref<2000000x64xf32, #tpu.memory_space<hbm>>
    tpu.enqueue_indirect_dma source(%dma_start3A_41 : memref<2000000x64xf32, #tpu.memory_space<hbm>>) target(%dma_start3A_35 : memref<72x64xf32, #tpu.memory_space<vmem>>) offsets(%dma_start3A_38 : memref<72xi32, #tpu.memory_space<vmem>>) semaphore(%arg11 : memref<!tpu.dma_semaphore, #tpu.memory_space<semaphore_mem>>)
    %scan3A = arith.constant 0 : i32
    %scan3A_42 = arith.constant 0 : i32
    %scan3A_43 = arith.constant 64 : i32
    %scan3A_44 = arith.addi %scan3A_42, %scan3A_43 : i32
    %scan3A_45 = arith.constant 1 : i32
    scf.for %scan3A_47 = %scan3A_42 to %scan3A_44 step %scan3A_45  : i32 {
      %mul3A_48 = arith.constant 2 : i32
      %mul3A_49 = arith.muli %mul3A_48, %scan3A_47 : i32
      %add3A_50 = arith.constant 1 : i32
      %add3A_51 = arith.addi %mul3A_49, %add3A_50 : i32
      %dma_start3A_52 = arith.constant 0 : i32
      %dma_start3A_53 = arith.constant 0 : i32
      %dma_start3A_54 = tpu.memref_slice %arg9[%dma_start3A_52, %dma_start3A_53] : memref<400x64xf32, #tpu.memory_space<vmem>> -> memref<128x64xf32, #tpu.memory_space<vmem>>
      %dma_start3A_55 = arith.constant 0 : i32
      %dma_start3A_56 = tpu.memref_slice %arg6[%add3A_51, %dma_start3A_55] : memref<128x200xi32, #tpu.memory_space<vmem>> -> memref<1x128xi32, #tpu.memory_space<vmem>>
      %dma_start3A_57 = tpu.memref_squeeze %dma_start3A_56 : memref<1x128xi32, #tpu.memory_space<vmem>> -> memref<128xi32, #tpu.memory_space<vmem>>
      %dma_start3A_58 = arith.constant 0 : i32
      %dma_start3A_59 = arith.constant 0 : i32
      %dma_start3A_60 = tpu.memref_slice %arg2[%dma_start3A_58, %dma_start3A_59] : memref<2000000x64xf32, #tpu.memory_space<hbm>> -> memref<2000000x64xf32, #tpu.memory_space<hbm>>
      tpu.enqueue_indirect_dma source(%dma_start3A_60 : memref<2000000x64xf32, #tpu.memory_space<hbm>>) target(%dma_start3A_54 : memref<128x64xf32, #tpu.memory_space<vmem>>) offsets(%dma_start3A_57 : memref<128xi32, #tpu.memory_space<vmem>>) semaphore(%arg12 : memref<!tpu.dma_semaphore, #tpu.memory_space<semaphore_mem>>)
      %dma_start3A_61 = arith.constant 128 : i32
      %dma_start3A_62 = arith.constant 0 : i32
      %dma_start3A_63 = tpu.memref_slice %arg9[%dma_start3A_61, %dma_start3A_62] : memref<400x64xf32, #tpu.memory_space<vmem>> -> memref<72x64xf32, #tpu.memory_space<vmem>>
      %dma_start3A_64 = arith.constant 128 : i32
      %dma_start3A_65 = tpu.memref_slice %arg6[%add3A_51, %dma_start3A_64] : memref<128x200xi32, #tpu.memory_space<vmem>> -> memref<1x72xi32, #tpu.memory_space<vmem>>
      %dma_start3A_66 = tpu.memref_squeeze %dma_start3A_65 : memref<1x72xi32, #tpu.memory_space<vmem>> -> memref<72xi32, #tpu.memory_space<vmem>>
      %dma_start3A_67 = arith.constant 0 : i32
      %dma_start3A_68 = arith.constant 0 : i32
      %dma_start3A_69 = tpu.memref_slice %arg2[%dma_start3A_67, %dma_start3A_68] : memref<2000000x64xf32, #tpu.memory_space<hbm>> -> memref<2000000x64xf32, #tpu.memory_space<hbm>>
      tpu.enqueue_indirect_dma source(%dma_start3A_69 : memref<2000000x64xf32, #tpu.memory_space<hbm>>) target(%dma_start3A_63 : memref<72x64xf32, #tpu.memory_space<vmem>>) offsets(%dma_start3A_66 : memref<72xi32, #tpu.memory_space<vmem>>) semaphore(%arg12 : memref<!tpu.dma_semaphore, #tpu.memory_space<semaphore_mem>>)
      %dma_start3A_70 = arith.constant 200 : i32
      %dma_start3A_71 = arith.constant 0 : i32
      %dma_start3A_72 = tpu.memref_slice %arg9[%dma_start3A_70, %dma_start3A_71] : memref<400x64xf32, #tpu.memory_space<vmem>> -> memref<128x64xf32, #tpu.memory_space<vmem>>
      %dma_start3A_73 = arith.constant 0 : i32
      %dma_start3A_74 = tpu.memref_slice %arg7[%add3A_51, %dma_start3A_73] : memref<128x200xi32, #tpu.memory_space<vmem>> -> memref<1x128xi32, #tpu.memory_space<vmem>>
      %dma_start3A_75 = tpu.memref_squeeze %dma_start3A_74 : memref<1x128xi32, #tpu.memory_space<vmem>> -> memref<128xi32, #tpu.memory_space<vmem>>
      %dma_start3A_76 = arith.constant 0 : i32
      %dma_start3A_77 = arith.constant 0 : i32
      %dma_start3A_78 = tpu.memref_slice %arg2[%dma_start3A_76, %dma_start3A_77] : memref<2000000x64xf32, #tpu.memory_space<hbm>> -> memref<2000000x64xf32, #tpu.memory_space<hbm>>
      tpu.enqueue_indirect_dma source(%dma_start3A_78 : memref<2000000x64xf32, #tpu.memory_space<hbm>>) target(%dma_start3A_72 : memref<128x64xf32, #tpu.memory_space<vmem>>) offsets(%dma_start3A_75 : memref<128xi32, #tpu.memory_space<vmem>>) semaphore(%arg12 : memref<!tpu.dma_semaphore, #tpu.memory_space<semaphore_mem>>)
      %dma_start3A_79 = arith.constant 328 : i32
      %dma_start3A_80 = arith.constant 0 : i32
      %dma_start3A_81 = tpu.memref_slice %arg9[%dma_start3A_79, %dma_start3A_80] : memref<400x64xf32, #tpu.memory_space<vmem>> -> memref<72x64xf32, #tpu.memory_space<vmem>>
      %dma_start3A_82 = arith.constant 128 : i32
      %dma_start3A_83 = tpu.memref_slice %arg7[%add3A_51, %dma_start3A_82] : memref<128x200xi32, #tpu.memory_space<vmem>> -> memref<1x72xi32, #tpu.memory_space<vmem>>
      %dma_start3A_84 = tpu.memref_squeeze %dma_start3A_83 : memref<1x72xi32, #tpu.memory_space<vmem>> -> memref<72xi32, #tpu.memory_space<vmem>>
      %dma_start3A_85 = arith.constant 0 : i32
      %dma_start3A_86 = arith.constant 0 : i32
      %dma_start3A_87 = tpu.memref_slice %arg2[%dma_start3A_85, %dma_start3A_86] : memref<2000000x64xf32, #tpu.memory_space<hbm>> -> memref<2000000x64xf32, #tpu.memory_space<hbm>>
      tpu.enqueue_indirect_dma source(%dma_start3A_87 : memref<2000000x64xf32, #tpu.memory_space<hbm>>) target(%dma_start3A_81 : memref<72x64xf32, #tpu.memory_space<vmem>>) offsets(%dma_start3A_84 : memref<72xi32, #tpu.memory_space<vmem>>) semaphore(%arg12 : memref<!tpu.dma_semaphore, #tpu.memory_space<semaphore_mem>>)
      %dma_wait3A = arith.constant 0 : i32
      %dma_wait3A_88 = arith.constant 0 : i32
      %dma_wait3A_89 = arith.constant 0 : i32
      %dma_wait3A_90 = tpu.memref_slice %arg8[%dma_wait3A_88, %dma_wait3A_89] : memref<400x64xf32, #tpu.memory_space<vmem>> -> memref<128x64xf32, #tpu.memory_space<vmem>>
      %dma_wait3A_91 = arith.constant 0 : i32
      %dma_wait3A_92 = tpu.memref_slice %arg6[%dma_wait3A, %dma_wait3A_91] : memref<128x200xi32, #tpu.memory_space<vmem>> -> memref<1x128xi32, #tpu.memory_space<vmem>>
      %dma_wait3A_93 = tpu.memref_squeeze %dma_wait3A_92 : memref<1x128xi32, #tpu.memory_space<vmem>> -> memref<128xi32, #tpu.memory_space<vmem>>
      %dma_wait3A_94 = arith.constant 0 : i32
      %dma_wait3A_95 = arith.constant 0 : i32
      %dma_wait3A_96 = tpu.memref_slice %arg2[%dma_wait3A_94, %dma_wait3A_95] : memref<2000000x64xf32, #tpu.memory_space<hbm>> -> memref<2000000x64xf32, #tpu.memory_space<hbm>>
      tpu.wait_indirect_dma semaphore(%arg11 : memref<!tpu.dma_semaphore, #tpu.memory_space<semaphore_mem>>) src(%dma_wait3A_96 : memref<2000000x64xf32, #tpu.memory_space<hbm>>) dst(%dma_wait3A_90 : memref<128x64xf32, #tpu.memory_space<vmem>>)
      %dma_wait3A_97 = arith.constant 0 : i32
      %dma_wait3A_98 = arith.constant 128 : i32
      %dma_wait3A_99 = arith.constant 0 : i32
      %dma_wait3A_100 = tpu.memref_slice %arg8[%dma_wait3A_98, %dma_wait3A_99] : memref<400x64xf32, #tpu.memory_space<vmem>> -> memref<72x64xf32, #tpu.memory_space<vmem>>
      %dma_wait3A_101 = arith.constant 128 : i32
      %dma_wait3A_102 = tpu.memref_slice %arg6[%dma_wait3A_97, %dma_wait3A_101] : memref<128x200xi32, #tpu.memory_space<vmem>> -> memref<1x72xi32, #tpu.memory_space<vmem>>
      %dma_wait3A_103 = tpu.memref_squeeze %dma_wait3A_102 : memref<1x72xi32, #tpu.memory_space<vmem>> -> memref<72xi32, #tpu.memory_space<vmem>>
      %dma_wait3A_104 = arith.constant 0 : i32
      %dma_wait3A_105 = arith.constant 0 : i32
      %dma_wait3A_106 = tpu.memref_slice %arg2[%dma_wait3A_104, %dma_wait3A_105] : memref<2000000x64xf32, #tpu.memory_space<hbm>> -> memref<2000000x64xf32, #tpu.memory_space<hbm>>
      tpu.wait_indirect_dma semaphore(%arg11 : memref<!tpu.dma_semaphore, #tpu.memory_space<semaphore_mem>>) src(%dma_wait3A_106 : memref<2000000x64xf32, #tpu.memory_space<hbm>>) dst(%dma_wait3A_100 : memref<72x64xf32, #tpu.memory_space<vmem>>)
      %dma_wait3A_107 = arith.constant 0 : i32
      %dma_wait3A_108 = arith.constant 200 : i32
      %dma_wait3A_109 = arith.constant 0 : i32
      %dma_wait3A_110 = tpu.memref_slice %arg8[%dma_wait3A_108, %dma_wait3A_109] : memref<400x64xf32, #tpu.memory_space<vmem>> -> memref<128x64xf32, #tpu.memory_space<vmem>>
      %dma_wait3A_111 = arith.constant 0 : i32
      %dma_wait3A_112 = tpu.memref_slice %arg6[%dma_wait3A_107, %dma_wait3A_111] : memref<128x200xi32, #tpu.memory_space<vmem>> -> memref<1x128xi32, #tpu.memory_space<vmem>>
      %dma_wait3A_113 = tpu.memref_squeeze %dma_wait3A_112 : memref<1x128xi32, #tpu.memory_space<vmem>> -> memref<128xi32, #tpu.memory_space<vmem>>
      %dma_wait3A_114 = arith.constant 0 : i32
      %dma_wait3A_115 = arith.constant 0 : i32
      %dma_wait3A_116 = tpu.memref_slice %arg2[%dma_wait3A_114, %dma_wait3A_115] : memref<2000000x64xf32, #tpu.memory_space<hbm>> -> memref<2000000x64xf32, #tpu.memory_space<hbm>>
      tpu.wait_indirect_dma semaphore(%arg11 : memref<!tpu.dma_semaphore, #tpu.memory_space<semaphore_mem>>) src(%dma_wait3A_116 : memref<2000000x64xf32, #tpu.memory_space<hbm>>) dst(%dma_wait3A_110 : memref<128x64xf32, #tpu.memory_space<vmem>>)
      %dma_wait3A_117 = arith.constant 0 : i32
      %dma_wait3A_118 = arith.constant 328 : i32
      %dma_wait3A_119 = arith.constant 0 : i32
      %dma_wait3A_120 = tpu.memref_slice %arg8[%dma_wait3A_118, %dma_wait3A_119] : memref<400x64xf32, #tpu.memory_space<vmem>> -> memref<72x64xf32, #tpu.memory_space<vmem>>
      %dma_wait3A_121 = arith.constant 128 : i32
      %dma_wait3A_122 = tpu.memref_slice %arg6[%dma_wait3A_117, %dma_wait3A_121] : memref<128x200xi32, #tpu.memory_space<vmem>> -> memref<1x72xi32, #tpu.memory_space<vmem>>
      %dma_wait3A_123 = tpu.memref_squeeze %dma_wait3A_122 : memref<1x72xi32, #tpu.memory_space<vmem>> -> memref<72xi32, #tpu.memory_space<vmem>>
      %dma_wait3A_124 = arith.constant 0 : i32
      %dma_wait3A_125 = arith.constant 0 : i32
      %dma_wait3A_126 = tpu.memref_slice %arg2[%dma_wait3A_124, %dma_wait3A_125] : memref<2000000x64xf32, #tpu.memory_space<hbm>> -> memref<2000000x64xf32, #tpu.memory_space<hbm>>
      tpu.wait_indirect_dma semaphore(%arg11 : memref<!tpu.dma_semaphore, #tpu.memory_space<semaphore_mem>>) src(%dma_wait3A_126 : memref<2000000x64xf32, #tpu.memory_space<hbm>>) dst(%dma_wait3A_120 : memref<72x64xf32, #tpu.memory_space<vmem>>)
      %broadcast_in_dim3A = arith.constant 0.000000e+00 : f32
      %broadcast_in_dim3A_127 = vector.broadcast %broadcast_in_dim3A : f32 to vector<16xf32>
      %scan3A_128 = arith.constant 0 : i32
      %scan3A_129 = arith.constant 50 : i32
      %scan3A_130 = arith.addi %scan3A_128, %scan3A_129 : i32
      %scan3A_131 = arith.constant 1 : i32
      %scan3A_132:8 = scf.for %scan3A_233 = %scan3A_128 to %scan3A_130 step %scan3A_131 iter_args(%scan3A_234 = %broadcast_in_dim3A_127, %scan3A_235 = %broadcast_in_dim3A_127, %scan3A_236 = %broadcast_in_dim3A_127, %scan3A_237 = %broadcast_in_dim3A_127, %scan3A_238 = %broadcast_in_dim3A_127, %scan3A_239 = %broadcast_in_dim3A_127, %scan3A_240 = %broadcast_in_dim3A_127, %scan3A_241 = %broadcast_in_dim3A_127) -> (vector<16xf32>, vector<16xf32>, vector<16xf32>, vector<16xf32>, vector<16xf32>, vector<16xf32>, vector<16xf32>, vector<16xf32>)  : i32 {
        %mul3A_242 = arith.constant 8 : i32
        %mul3A_243 = arith.muli %scan3A_233, %mul3A_242 : i32
        %add3A_244 = arith.constant 0 : i32
        %add3A_245 = arith.addi %mul3A_243, %add3A_244 : i32
        %get3A = arith.index_cast %add3A_245 : i32 to index
        %get3A_246 = arith.constant 0 : index
        %get3A_247 = tpu.vector_load %arg8[%get3A, %get3A_246] {strides = array<i32>} : memref<400x64xf32, #tpu.memory_space<vmem>>, vector<1x16xf32>,
        %get3A_248 = vector.shape_cast %get3A_247 : vector<1x16xf32> to vector<16xf32>
        %add3A_249 = arith.addf %scan3A_234, %get3A_248 : vector<16xf32>
        %add3A_250 = arith.constant 0 : i32
        %add3A_251 = arith.addi %mul3A_243, %add3A_250 : i32
        %get3A_252 = arith.index_cast %add3A_251 : i32 to index
        %get3A_253 = arith.constant 16 : index
        %get3A_254 = tpu.vector_load %arg8[%get3A_252, %get3A_253] {strides = array<i32>} : memref<400x64xf32, #tpu.memory_space<vmem>>, vector<1x16xf32>,
        %get3A_255 = vector.shape_cast %get3A_254 : vector<1x16xf32> to vector<16xf32>
        %add3A_256 = arith.addf %scan3A_235, %get3A_255 : vector<16xf32>
        %add3A_257 = arith.constant 0 : i32
        %add3A_258 = arith.addi %mul3A_243, %add3A_257 : i32
        %get3A_259 = arith.index_cast %add3A_258 : i32 to index
        %get3A_260 = arith.constant 32 : index
        %get3A_261 = tpu.vector_load %arg8[%get3A_259, %get3A_260] {strides = array<i32>} : memref<400x64xf32, #tpu.memory_space<vmem>>, vector<1x16xf32>,
        %get3A_262 = vector.shape_cast %get3A_261 : vector<1x16xf32> to vector<16xf32>
        %add3A_263 = arith.addf %scan3A_236, %get3A_262 : vector<16xf32>
        %add3A_264 = arith.constant 0 : i32
        %add3A_265 = arith.addi %mul3A_243, %add3A_264 : i32
        %get3A_266 = arith.index_cast %add3A_265 : i32 to index
        %get3A_267 = arith.constant 48 : index
        %get3A_268 = tpu.vector_load %arg8[%get3A_266, %get3A_267] {strides = array<i32>} : memref<400x64xf32, #tpu.memory_space<vmem>>, vector<1x16xf32>,
        %get3A_269 = vector.shape_cast %get3A_268 : vector<1x16xf32> to vector<16xf32>
        %add3A_270 = arith.addf %scan3A_237, %get3A_269 : vector<16xf32>
        %add3A_271 = arith.constant 1 : i32
        %add3A_272 = arith.addi %mul3A_243, %add3A_271 : i32
        %get3A_273 = arith.index_cast %add3A_272 : i32 to index
        %get3A_274 = arith.constant 0 : index
        %get3A_275 = tpu.vector_load %arg8[%get3A_273, %get3A_274] {strides = array<i32>} : memref<400x64xf32, #tpu.memory_space<vmem>>, vector<1x16xf32>,
        %get3A_276 = vector.shape_cast %get3A_275 : vector<1x16xf32> to vector<16xf32>
        %add3A_277 = arith.addf %scan3A_238, %get3A_276 : vector<16xf32>
        %add3A_278 = arith.constant 1 : i32
        %add3A_279 = arith.addi %mul3A_243, %add3A_278 : i32
        %get3A_280 = arith.index_cast %add3A_279 : i32 to index
        %get3A_281 = arith.constant 16 : index
        %get3A_282 = tpu.vector_load %arg8[%get3A_280, %get3A_281] {strides = array<i32>} : memref<400x64xf32, #tpu.memory_space<vmem>>, vector<1x16xf32>,
        %get3A_283 = vector.shape_cast %get3A_282 : vector<1x16xf32> to vector<16xf32>
        %add3A_284 = arith.addf %scan3A_239, %get3A_283 : vector<16xf32>
        %add3A_285 = arith.constant 1 : i32
        %add3A_286 = arith.addi %mul3A_243, %add3A_285 : i32
        %get3A_287 = arith.index_cast %add3A_286 : i32 to index
        %get3A_288 = arith.constant 32 : index
        %get3A_289 = tpu.vector_load %arg8[%get3A_287, %get3A_288] {strides = array<i32>} : memref<400x64xf32, #tpu.memory_space<vmem>>, vector<1x16xf32>,
        %get3A_290 = vector.shape_cast %get3A_289 : vector<1x16xf32> to vector<16xf32>
        %add3A_291 = arith.addf %scan3A_240, %get3A_290 : vector<16xf32>
        %add3A_292 = arith.constant 1 : i32
        %add3A_293 = arith.addi %mul3A_243, %add3A_292 : i32
        %get3A_294 = arith.index_cast %add3A_293 : i32 to index
        %get3A_295 = arith.constant 48 : index
        %get3A_296 = tpu.vector_load %arg8[%get3A_294, %get3A_295] {strides = array<i32>} : memref<400x64xf32, #tpu.memory_space<vmem>>, vector<1x16xf32>,
        %get3A_297 = vector.shape_cast %get3A_296 : vector<1x16xf32> to vector<16xf32>
        %add3A_298 = arith.addf %scan3A_241, %get3A_297 : vector<16xf32>
        %add3A_299 = arith.constant 2 : i32
        %add3A_300 = arith.addi %mul3A_243, %add3A_299 : i32
        %get3A_301 = arith.index_cast %add3A_300 : i32 to index
        %get3A_302 = arith.constant 0 : index
        %get3A_303 = tpu.vector_load %arg8[%get3A_301, %get3A_302] {strides = array<i32>} : memref<400x64xf32, #tpu.memory_space<vmem>>, vector<1x16xf32>,
        %get3A_304 = vector.shape_cast %get3A_303 : vector<1x16xf32> to vector<16xf32>
        %add3A_305 = arith.addf %add3A_249, %get3A_304 : vector<16xf32>
        %add3A_306 = arith.constant 2 : i32
        %add3A_307 = arith.addi %mul3A_243, %add3A_306 : i32
        %get3A_308 = arith.index_cast %add3A_307 : i32 to index
        %get3A_309 = arith.constant 16 : index
        %get3A_310 = tpu.vector_load %arg8[%get3A_308, %get3A_309] {strides = array<i32>} : memref<400x64xf32, #tpu.memory_space<vmem>>, vector<1x16xf32>,
        %get3A_311 = vector.shape_cast %get3A_310 : vector<1x16xf32> to vector<16xf32>
        %add3A_312 = arith.addf %add3A_256, %get3A_311 : vector<16xf32>
        %add3A_313 = arith.constant 2 : i32
        %add3A_314 = arith.addi %mul3A_243, %add3A_313 : i32
        %get3A_315 = arith.index_cast %add3A_314 : i32 to index
        %get3A_316 = arith.constant 32 : index
        %get3A_317 = tpu.vector_load %arg8[%get3A_315, %get3A_316] {strides = array<i32>} : memref<400x64xf32, #tpu.memory_space<vmem>>, vector<1x16xf32>,
        %get3A_318 = vector.shape_cast %get3A_317 : vector<1x16xf32> to vector<16xf32>
        %add3A_319 = arith.addf %add3A_263, %get3A_318 : vector<16xf32>
        %add3A_320 = arith.constant 2 : i32
        %add3A_321 = arith.addi %mul3A_243, %add3A_320 : i32
        %get3A_322 = arith.index_cast %add3A_321 : i32 to index
        %get3A_323 = arith.constant 48 : index
        %get3A_324 = tpu.vector_load %arg8[%get3A_322, %get3A_323] {strides = array<i32>} : memref<400x64xf32, #tpu.memory_space<vmem>>, vector<1x16xf32>,
        %get3A_325 = vector.shape_cast %get3A_324 : vector<1x16xf32> to vector<16xf32>
        %add3A_326 = arith.addf %add3A_270, %get3A_325 : vector<16xf32>
        %add3A_327 = arith.constant 3 : i32
        %add3A_328 = arith.addi %mul3A_243, %add3A_327 : i32
        %get3A_329 = arith.index_cast %add3A_328 : i32 to index
        %get3A_330 = arith.constant 0 : index
        %get3A_331 = tpu.vector_load %arg8[%get3A_329, %get3A_330] {strides = array<i32>} : memref<400x64xf32, #tpu.memory_space<vmem>>, vector<1x16xf32>,
        %get3A_332 = vector.shape_cast %get3A_331 : vector<1x16xf32> to vector<16xf32>
        %add3A_333 = arith.addf %add3A_277, %get3A_332 : vector<16xf32>
        %add3A_334 = arith.constant 3 : i32
        %add3A_335 = arith.addi %mul3A_243, %add3A_334 : i32
        %get3A_336 = arith.index_cast %add3A_335 : i32 to index
        %get3A_337 = arith.constant 16 : index
        %get3A_338 = tpu.vector_load %arg8[%get3A_336, %get3A_337] {strides = array<i32>} : memref<400x64xf32, #tpu.memory_space<vmem>>, vector<1x16xf32>,
        %get3A_339 = vector.shape_cast %get3A_338 : vector<1x16xf32> to vector<16xf32>
        %add3A_340 = arith.addf %add3A_284, %get3A_339 : vector<16xf32>
        %add3A_341 = arith.constant 3 : i32
        %add3A_342 = arith.addi %mul3A_243, %add3A_341 : i32
        %get3A_343 = arith.index_cast %add3A_342 : i32 to index
        %get3A_344 = arith.constant 32 : index
        %get3A_345 = tpu.vector_load %arg8[%get3A_343, %get3A_344] {strides = array<i32>} : memref<400x64xf32, #tpu.memory_space<vmem>>, vector<1x16xf32>,
        %get3A_346 = vector.shape_cast %get3A_345 : vector<1x16xf32> to vector<16xf32>
        %add3A_347 = arith.addf %add3A_291, %get3A_346 : vector<16xf32>
        %add3A_348 = arith.constant 3 : i32
        %add3A_349 = arith.addi %mul3A_243, %add3A_348 : i32
        %get3A_350 = arith.index_cast %add3A_349 : i32 to index
        %get3A_351 = arith.constant 48 : index
        %get3A_352 = tpu.vector_load %arg8[%get3A_350, %get3A_351] {strides = array<i32>} : memref<400x64xf32, #tpu.memory_space<vmem>>, vector<1x16xf32>,
        %get3A_353 = vector.shape_cast %get3A_352 : vector<1x16xf32> to vector<16xf32>
        %add3A_354 = arith.addf %add3A_298, %get3A_353 : vector<16xf32>
        %add3A_355 = arith.constant 4 : i32
        %add3A_356 = arith.addi %mul3A_243, %add3A_355 : i32
        %get3A_357 = arith.index_cast %add3A_356 : i32 to index
        %get3A_358 = arith.constant 0 : index
        %get3A_359 = tpu.vector_load %arg8[%get3A_357, %get3A_358] {strides = array<i32>} : memref<400x64xf32, #tpu.memory_space<vmem>>, vector<1x16xf32>,
        %get3A_360 = vector.shape_cast %get3A_359 : vector<1x16xf32> to vector<16xf32>
        %add3A_361 = arith.addf %add3A_305, %get3A_360 : vector<16xf32>
        %add3A_362 = arith.constant 4 : i32
        %add3A_363 = arith.addi %mul3A_243, %add3A_362 : i32
        %get3A_364 = arith.index_cast %add3A_363 : i32 to index
        %get3A_365 = arith.constant 16 : index
        %get3A_366 = tpu.vector_load %arg8[%get3A_364, %get3A_365] {strides = array<i32>} : memref<400x64xf32, #tpu.memory_space<vmem>>, vector<1x16xf32>,
        %get3A_367 = vector.shape_cast %get3A_366 : vector<1x16xf32> to vector<16xf32>
        %add3A_368 = arith.addf %add3A_312, %get3A_367 : vector<16xf32>
        %add3A_369 = arith.constant 4 : i32
        %add3A_370 = arith.addi %mul3A_243, %add3A_369 : i32
        %get3A_371 = arith.index_cast %add3A_370 : i32 to index
        %get3A_372 = arith.constant 32 : index
        %get3A_373 = tpu.vector_load %arg8[%get3A_371, %get3A_372] {strides = array<i32>} : memref<400x64xf32, #tpu.memory_space<vmem>>, vector<1x16xf32>,
        %get3A_374 = vector.shape_cast %get3A_373 : vector<1x16xf32> to vector<16xf32>
        %add3A_375 = arith.addf %add3A_319, %get3A_374 : vector<16xf32>
        %add3A_376 = arith.constant 4 : i32
        %add3A_377 = arith.addi %mul3A_243, %add3A_376 : i32
        %get3A_378 = arith.index_cast %add3A_377 : i32 to index
        %get3A_379 = arith.constant 48 : index
        %get3A_380 = tpu.vector_load %arg8[%get3A_378, %get3A_379] {strides = array<i32>} : memref<400x64xf32, #tpu.memory_space<vmem>>, vector<1x16xf32>,
        %get3A_381 = vector.shape_cast %get3A_380 : vector<1x16xf32> to vector<16xf32>
        %add3A_382 = arith.addf %add3A_326, %get3A_381 : vector<16xf32>
        %add3A_383 = arith.constant 5 : i32
        %add3A_384 = arith.addi %mul3A_243, %add3A_383 : i32
        %get3A_385 = arith.index_cast %add3A_384 : i32 to index
        %get3A_386 = arith.constant 0 : index
        %get3A_387 = tpu.vector_load %arg8[%get3A_385, %get3A_386] {strides = array<i32>} : memref<400x64xf32, #tpu.memory_space<vmem>>, vector<1x16xf32>,
        %get3A_388 = vector.shape_cast %get3A_387 : vector<1x16xf32> to vector<16xf32>
        %add3A_389 = arith.addf %add3A_333, %get3A_388 : vector<16xf32>
        %add3A_390 = arith.constant 5 : i32
        %add3A_391 = arith.addi %mul3A_243, %add3A_390 : i32
        %get3A_392 = arith.index_cast %add3A_391 : i32 to index
        %get3A_393 = arith.constant 16 : index
        %get3A_394 = tpu.vector_load %arg8[%get3A_392, %get3A_393] {strides = array<i32>} : memref<400x64xf32, #tpu.memory_space<vmem>>, vector<1x16xf32>,
        %get3A_395 = vector.shape_cast %get3A_394 : vector<1x16xf32> to vector<16xf32>
        %add3A_396 = arith.addf %add3A_340, %get3A_395 : vector<16xf32>
        %add3A_397 = arith.constant 5 : i32
        %add3A_398 = arith.addi %mul3A_243, %add3A_397 : i32
        %get3A_399 = arith.index_cast %add3A_398 : i32 to index
        %get3A_400 = arith.constant 32 : index
        %get3A_401 = tpu.vector_load %arg8[%get3A_399, %get3A_400] {strides = array<i32>} : memref<400x64xf32, #tpu.memory_space<vmem>>, vector<1x16xf32>,
        %get3A_402 = vector.shape_cast %get3A_401 : vector<1x16xf32> to vector<16xf32>
        %add3A_403 = arith.addf %add3A_347, %get3A_402 : vector<16xf32>
        %add3A_404 = arith.constant 5 : i32
        %add3A_405 = arith.addi %mul3A_243, %add3A_404 : i32
        %get3A_406 = arith.index_cast %add3A_405 : i32 to index
        %get3A_407 = arith.constant 48 : index
        %get3A_408 = tpu.vector_load %arg8[%get3A_406, %get3A_407] {strides = array<i32>} : memref<400x64xf32, #tpu.memory_space<vmem>>, vector<1x16xf32>,
        %get3A_409 = vector.shape_cast %get3A_408 : vector<1x16xf32> to vector<16xf32>
        %add3A_410 = arith.addf %add3A_354, %get3A_409 : vector<16xf32>
        %add3A_411 = arith.constant 6 : i32
        %add3A_412 = arith.addi %mul3A_243, %add3A_411 : i32
        %get3A_413 = arith.index_cast %add3A_412 : i32 to index
        %get3A_414 = arith.constant 0 : index
        %get3A_415 = tpu.vector_load %arg8[%get3A_413, %get3A_414] {strides = array<i32>} : memref<400x64xf32, #tpu.memory_space<vmem>>, vector<1x16xf32>,
        %get3A_416 = vector.shape_cast %get3A_415 : vector<1x16xf32> to vector<16xf32>
        %add3A_417 = arith.addf %add3A_361, %get3A_416 : vector<16xf32>
        %add3A_418 = arith.constant 6 : i32
        %add3A_419 = arith.addi %mul3A_243, %add3A_418 : i32
        %get3A_420 = arith.index_cast %add3A_419 : i32 to index
        %get3A_421 = arith.constant 16 : index
        %get3A_422 = tpu.vector_load %arg8[%get3A_420, %get3A_421] {strides = array<i32>} : memref<400x64xf32, #tpu.memory_space<vmem>>, vector<1x16xf32>,
        %get3A_423 = vector.shape_cast %get3A_422 : vector<1x16xf32> to vector<16xf32>
        %add3A_424 = arith.addf %add3A_368, %get3A_423 : vector<16xf32>
        %add3A_425 = arith.constant 6 : i32
        %add3A_426 = arith.addi %mul3A_243, %add3A_425 : i32
        %get3A_427 = arith.index_cast %add3A_426 : i32 to index
        %get3A_428 = arith.constant 32 : index
        %get3A_429 = tpu.vector_load %arg8[%get3A_427, %get3A_428] {strides = array<i32>} : memref<400x64xf32, #tpu.memory_space<vmem>>, vector<1x16xf32>,
        %get3A_430 = vector.shape_cast %get3A_429 : vector<1x16xf32> to vector<16xf32>
        %add3A_431 = arith.addf %add3A_375, %get3A_430 : vector<16xf32>
        %add3A_432 = arith.constant 6 : i32
        %add3A_433 = arith.addi %mul3A_243, %add3A_432 : i32
        %get3A_434 = arith.index_cast %add3A_433 : i32 to index
        %get3A_435 = arith.constant 48 : index
        %get3A_436 = tpu.vector_load %arg8[%get3A_434, %get3A_435] {strides = array<i32>} : memref<400x64xf32, #tpu.memory_space<vmem>>, vector<1x16xf32>,
        %get3A_437 = vector.shape_cast %get3A_436 : vector<1x16xf32> to vector<16xf32>
        %add3A_438 = arith.addf %add3A_382, %get3A_437 : vector<16xf32>
        %add3A_439 = arith.constant 7 : i32
        %add3A_440 = arith.addi %mul3A_243, %add3A_439 : i32
        %get3A_441 = arith.index_cast %add3A_440 : i32 to index
        %get3A_442 = arith.constant 0 : index
        %get3A_443 = tpu.vector_load %arg8[%get3A_441, %get3A_442] {strides = array<i32>} : memref<400x64xf32, #tpu.memory_space<vmem>>, vector<1x16xf32>,
        %get3A_444 = vector.shape_cast %get3A_443 : vector<1x16xf32> to vector<16xf32>
        %add3A_445 = arith.addf %add3A_389, %get3A_444 : vector<16xf32>
        %add3A_446 = arith.constant 7 : i32
        %add3A_447 = arith.addi %mul3A_243, %add3A_446 : i32
        %get3A_448 = arith.index_cast %add3A_447 : i32 to index
        %get3A_449 = arith.constant 16 : index
        %get3A_450 = tpu.vector_load %arg8[%get3A_448, %get3A_449] {strides = array<i32>} : memref<400x64xf32, #tpu.memory_space<vmem>>, vector<1x16xf32>,
        %get3A_451 = vector.shape_cast %get3A_450 : vector<1x16xf32> to vector<16xf32>
        %add3A_452 = arith.addf %add3A_396, %get3A_451 : vector<16xf32>
        %add3A_453 = arith.constant 7 : i32
        %add3A_454 = arith.addi %mul3A_243, %add3A_453 : i32
        %get3A_455 = arith.index_cast %add3A_454 : i32 to index
        %get3A_456 = arith.constant 32 : index
        %get3A_457 = tpu.vector_load %arg8[%get3A_455, %get3A_456] {strides = array<i32>} : memref<400x64xf32, #tpu.memory_space<vmem>>, vector<1x16xf32>,
        %get3A_458 = vector.shape_cast %get3A_457 : vector<1x16xf32> to vector<16xf32>
        %add3A_459 = arith.addf %add3A_403, %get3A_458 : vector<16xf32>
        %add3A_460 = arith.constant 7 : i32
        %add3A_461 = arith.addi %mul3A_243, %add3A_460 : i32
        %get3A_462 = arith.index_cast %add3A_461 : i32 to index
        %get3A_463 = arith.constant 48 : index
        %get3A_464 = tpu.vector_load %arg8[%get3A_462, %get3A_463] {strides = array<i32>} : memref<400x64xf32, #tpu.memory_space<vmem>>, vector<1x16xf32>,
        %get3A_465 = vector.shape_cast %get3A_464 : vector<1x16xf32> to vector<16xf32>
        %add3A_466 = arith.addf %add3A_410, %get3A_465 : vector<16xf32>
        scf.yield %add3A_417, %add3A_424, %add3A_431, %add3A_438, %add3A_445, %add3A_452, %add3A_459, %add3A_466 : vector<16xf32>, vector<16xf32>, vector<16xf32>, vector<16xf32>, vector<16xf32>, vector<16xf32>, vector<16xf32>, vector<16xf32>
      }
      %scan3A_133 = arith.constant 50 : i32
      %add3A_134 = arith.addf %scan3A_132#0, %scan3A_132#4 : vector<16xf32>
      %swap3A = arith.index_cast %mul3A_49 : i32 to index
      %swap3A_135 = arith.constant 0 : index
      %swap3A_136 = tpu.vector_load %arg10[%swap3A, %swap3A_135] {strides = array<i32>} : memref<128x64xf32, #tpu.memory_space<vmem>>, vector<1x16xf32>,
      %swap3A_137 = vector.shape_cast %swap3A_136 : vector<1x16xf32> to vector<16xf32>
      %swap3A_138 = vector.shape_cast %add3A_134 : vector<16xf32> to vector<1x16xf32>
      tpu.vector_store %arg10[%swap3A, %swap3A_135], %swap3A_138 {strides = array<i32>} : memref<128x64xf32, #tpu.memory_space<vmem>>, vector<1x16xf32>,
      %add3A_139 = arith.addf %scan3A_132#1, %scan3A_132#5 : vector<16xf32>
      %swap3A_140 = arith.index_cast %mul3A_49 : i32 to index
      %swap3A_141 = arith.constant 16 : index
      %swap3A_142 = tpu.vector_load %arg10[%swap3A_140, %swap3A_141] {strides = array<i32>} : memref<128x64xf32, #tpu.memory_space<vmem>>, vector<1x16xf32>,
      %swap3A_143 = vector.shape_cast %swap3A_142 : vector<1x16xf32> to vector<16xf32>
      %swap3A_144 = vector.shape_cast %add3A_139 : vector<16xf32> to vector<1x16xf32>
      tpu.vector_store %arg10[%swap3A_140, %swap3A_141], %swap3A_144 {strides = array<i32>} : memref<128x64xf32, #tpu.memory_space<vmem>>, vector<1x16xf32>,
      %add3A_145 = arith.addf %scan3A_132#2, %scan3A_132#6 : vector<16xf32>
      %swap3A_146 = arith.index_cast %mul3A_49 : i32 to index
      %swap3A_147 = arith.constant 32 : index
      %swap3A_148 = tpu.vector_load %arg10[%swap3A_146, %swap3A_147] {strides = array<i32>} : memref<128x64xf32, #tpu.memory_space<vmem>>, vector<1x16xf32>,
      %swap3A_149 = vector.shape_cast %swap3A_148 : vector<1x16xf32> to vector<16xf32>
      %swap3A_150 = vector.shape_cast %add3A_145 : vector<16xf32> to vector<1x16xf32>
      tpu.vector_store %arg10[%swap3A_146, %swap3A_147], %swap3A_150 {strides = array<i32>} : memref<128x64xf32, #tpu.memory_space<vmem>>, vector<1x16xf32>,
      %add3A_151 = arith.addf %scan3A_132#3, %scan3A_132#7 : vector<16xf32>
      %swap3A_152 = arith.index_cast %mul3A_49 : i32 to index
      %swap3A_153 = arith.constant 48 : index
      %swap3A_154 = tpu.vector_load %arg10[%swap3A_152, %swap3A_153] {strides = array<i32>} : memref<128x64xf32, #tpu.memory_space<vmem>>, vector<1x16xf32>,
      %swap3A_155 = vector.shape_cast %swap3A_154 : vector<1x16xf32> to vector<16xf32>
      %swap3A_156 = vector.shape_cast %add3A_151 : vector<16xf32> to vector<1x16xf32>
      tpu.vector_store %arg10[%swap3A_152, %swap3A_153], %swap3A_156 {strides = array<i32>} : memref<128x64xf32, #tpu.memory_space<vmem>>, vector<1x16xf32>,
      %lt3A = arith.constant 63 : i32
      %lt3A_157 = arith.cmpi slt, %scan3A_47, %lt3A : i32
      %convert_element_type3A = arith.extui %lt3A_157 : i1 to i32
      %cond3A = arith.constant 0 : i32
      %cond3A_158 = arith.cmpi ne, %convert_element_type3A, %cond3A : i32
      scf.if %cond3A_158 {
        %add3A_233 = arith.constant 2 : i32
        %add3A_234 = arith.addi %mul3A_49, %add3A_233 : i32
        %dma_start3A_235 = arith.constant 0 : i32
        %dma_start3A_236 = arith.constant 0 : i32
        %dma_start3A_237 = tpu.memref_slice %arg8[%dma_start3A_235, %dma_start3A_236] : memref<400x64xf32, #tpu.memory_space<vmem>> -> memref<128x64xf32, #tpu.memory_space<vmem>>
        %dma_start3A_238 = arith.constant 0 : i32
        %dma_start3A_239 = tpu.memref_slice %arg6[%add3A_234, %dma_start3A_238] : memref<128x200xi32, #tpu.memory_space<vmem>> -> memref<1x128xi32, #tpu.memory_space<vmem>>
        %dma_start3A_240 = tpu.memref_squeeze %dma_start3A_239 : memref<1x128xi32, #tpu.memory_space<vmem>> -> memref<128xi32, #tpu.memory_space<vmem>>
        %dma_start3A_241 = arith.constant 0 : i32
        %dma_start3A_242 = arith.constant 0 : i32
        %dma_start3A_243 = tpu.memref_slice %arg2[%dma_start3A_241, %dma_start3A_242] : memref<2000000x64xf32, #tpu.memory_space<hbm>> -> memref<2000000x64xf32, #tpu.memory_space<hbm>>
        tpu.enqueue_indirect_dma source(%dma_start3A_243 : memref<2000000x64xf32, #tpu.memory_space<hbm>>) target(%dma_start3A_237 : memref<128x64xf32, #tpu.memory_space<vmem>>) offsets(%dma_start3A_240 : memref<128xi32, #tpu.memory_space<vmem>>) semaphore(%arg11 : memref<!tpu.dma_semaphore, #tpu.memory_space<semaphore_mem>>)
        %dma_start3A_244 = arith.constant 128 : i32
        %dma_start3A_245 = arith.constant 0 : i32
        %dma_start3A_246 = tpu.memref_slice %arg8[%dma_start3A_244, %dma_start3A_245] : memref<400x64xf32, #tpu.memory_space<vmem>> -> memref<72x64xf32, #tpu.memory_space<vmem>>
        %dma_start3A_247 = arith.constant 128 : i32
        %dma_start3A_248 = tpu.memref_slice %arg6[%add3A_234, %dma_start3A_247] : memref<128x200xi32, #tpu.memory_space<vmem>> -> memref<1x72xi32, #tpu.memory_space<vmem>>
        %dma_start3A_249 = tpu.memref_squeeze %dma_start3A_248 : memref<1x72xi32, #tpu.memory_space<vmem>> -> memref<72xi32, #tpu.memory_space<vmem>>
        %dma_start3A_250 = arith.constant 0 : i32
        %dma_start3A_251 = arith.constant 0 : i32
        %dma_start3A_252 = tpu.memref_slice %arg2[%dma_start3A_250, %dma_start3A_251] : memref<2000000x64xf32, #tpu.memory_space<hbm>> -> memref<2000000x64xf32, #tpu.memory_space<hbm>>
        tpu.enqueue_indirect_dma source(%dma_start3A_252 : memref<2000000x64xf32, #tpu.memory_space<hbm>>) target(%dma_start3A_246 : memref<72x64xf32, #tpu.memory_space<vmem>>) offsets(%dma_start3A_249 : memref<72xi32, #tpu.memory_space<vmem>>) semaphore(%arg11 : memref<!tpu.dma_semaphore, #tpu.memory_space<semaphore_mem>>)
        %dma_start3A_253 = arith.constant 200 : i32
        %dma_start3A_254 = arith.constant 0 : i32
        %dma_start3A_255 = tpu.memref_slice %arg8[%dma_start3A_253, %dma_start3A_254] : memref<400x64xf32, #tpu.memory_space<vmem>> -> memref<128x64xf32, #tpu.memory_space<vmem>>
        %dma_start3A_256 = arith.constant 0 : i32
        %dma_start3A_257 = tpu.memref_slice %arg7[%add3A_234, %dma_start3A_256] : memref<128x200xi32, #tpu.memory_space<vmem>> -> memref<1x128xi32, #tpu.memory_space<vmem>>
        %dma_start3A_258 = tpu.memref_squeeze %dma_start3A_257 : memref<1x128xi32, #tpu.memory_space<vmem>> -> memref<128xi32, #tpu.memory_space<vmem>>
        %dma_start3A_259 = arith.constant 0 : i32
        %dma_start3A_260 = arith.constant 0 : i32
        %dma_start3A_261 = tpu.memref_slice %arg2[%dma_start3A_259, %dma_start3A_260] : memref<2000000x64xf32, #tpu.memory_space<hbm>> -> memref<2000000x64xf32, #tpu.memory_space<hbm>>
        tpu.enqueue_indirect_dma source(%dma_start3A_261 : memref<2000000x64xf32, #tpu.memory_space<hbm>>) target(%dma_start3A_255 : memref<128x64xf32, #tpu.memory_space<vmem>>) offsets(%dma_start3A_258 : memref<128xi32, #tpu.memory_space<vmem>>) semaphore(%arg11 : memref<!tpu.dma_semaphore, #tpu.memory_space<semaphore_mem>>)
        %dma_start3A_262 = arith.constant 328 : i32
        %dma_start3A_263 = arith.constant 0 : i32
        %dma_start3A_264 = tpu.memref_slice %arg8[%dma_start3A_262, %dma_start3A_263] : memref<400x64xf32, #tpu.memory_space<vmem>> -> memref<72x64xf32, #tpu.memory_space<vmem>>
        %dma_start3A_265 = arith.constant 128 : i32
        %dma_start3A_266 = tpu.memref_slice %arg7[%add3A_234, %dma_start3A_265] : memref<128x200xi32, #tpu.memory_space<vmem>> -> memref<1x72xi32, #tpu.memory_space<vmem>>
        %dma_start3A_267 = tpu.memref_squeeze %dma_start3A_266 : memref<1x72xi32, #tpu.memory_space<vmem>> -> memref<72xi32, #tpu.memory_space<vmem>>
        %dma_start3A_268 = arith.constant 0 : i32
        %dma_start3A_269 = arith.constant 0 : i32
        %dma_start3A_270 = tpu.memref_slice %arg2[%dma_start3A_268, %dma_start3A_269] : memref<2000000x64xf32, #tpu.memory_space<hbm>> -> memref<2000000x64xf32, #tpu.memory_space<hbm>>
        tpu.enqueue_indirect_dma source(%dma_start3A_270 : memref<2000000x64xf32, #tpu.memory_space<hbm>>) target(%dma_start3A_264 : memref<72x64xf32, #tpu.memory_space<vmem>>) offsets(%dma_start3A_267 : memref<72xi32, #tpu.memory_space<vmem>>) semaphore(%arg11 : memref<!tpu.dma_semaphore, #tpu.memory_space<semaphore_mem>>)
      } else {
      }
      %dma_wait3A_159 = arith.constant 0 : i32
      %dma_wait3A_160 = arith.constant 0 : i32
      %dma_wait3A_161 = arith.constant 0 : i32
      %dma_wait3A_162 = tpu.memref_slice %arg9[%dma_wait3A_160, %dma_wait3A_161] : memref<400x64xf32, #tpu.memory_space<vmem>> -> memref<128x64xf32, #tpu.memory_space<vmem>>
      %dma_wait3A_163 = arith.constant 0 : i32
      %dma_wait3A_164 = tpu.memref_slice %arg6[%dma_wait3A_159, %dma_wait3A_163] : memref<128x200xi32, #tpu.memory_space<vmem>> -> memref<1x128xi32, #tpu.memory_space<vmem>>
      %dma_wait3A_165 = tpu.memref_squeeze %dma_wait3A_164 : memref<1x128xi32, #tpu.memory_space<vmem>> -> memref<128xi32, #tpu.memory_space<vmem>>
      %dma_wait3A_166 = arith.constant 0 : i32
      %dma_wait3A_167 = arith.constant 0 : i32
      %dma_wait3A_168 = tpu.memref_slice %arg2[%dma_wait3A_166, %dma_wait3A_167] : memref<2000000x64xf32, #tpu.memory_space<hbm>> -> memref<2000000x64xf32, #tpu.memory_space<hbm>>
      tpu.wait_indirect_dma semaphore(%arg12 : memref<!tpu.dma_semaphore, #tpu.memory_space<semaphore_mem>>) src(%dma_wait3A_168 : memref<2000000x64xf32, #tpu.memory_space<hbm>>) dst(%dma_wait3A_162 : memref<128x64xf32, #tpu.memory_space<vmem>>)
      %dma_wait3A_169 = arith.constant 0 : i32
      %dma_wait3A_170 = arith.constant 128 : i32
      %dma_wait3A_171 = arith.constant 0 : i32
      %dma_wait3A_172 = tpu.memref_slice %arg9[%dma_wait3A_170, %dma_wait3A_171] : memref<400x64xf32, #tpu.memory_space<vmem>> -> memref<72x64xf32, #tpu.memory_space<vmem>>
      %dma_wait3A_173 = arith.constant 128 : i32
      %dma_wait3A_174 = tpu.memref_slice %arg6[%dma_wait3A_169, %dma_wait3A_173] : memref<128x200xi32, #tpu.memory_space<vmem>> -> memref<1x72xi32, #tpu.memory_space<vmem>>
      %dma_wait3A_175 = tpu.memref_squeeze %dma_wait3A_174 : memref<1x72xi32, #tpu.memory_space<vmem>> -> memref<72xi32, #tpu.memory_space<vmem>>
      %dma_wait3A_176 = arith.constant 0 : i32
      %dma_wait3A_177 = arith.constant 0 : i32
      %dma_wait3A_178 = tpu.memref_slice %arg2[%dma_wait3A_176, %dma_wait3A_177] : memref<2000000x64xf32, #tpu.memory_space<hbm>> -> memref<2000000x64xf32, #tpu.memory_space<hbm>>
      tpu.wait_indirect_dma semaphore(%arg12 : memref<!tpu.dma_semaphore, #tpu.memory_space<semaphore_mem>>) src(%dma_wait3A_178 : memref<2000000x64xf32, #tpu.memory_space<hbm>>) dst(%dma_wait3A_172 : memref<72x64xf32, #tpu.memory_space<vmem>>)
      %dma_wait3A_179 = arith.constant 0 : i32
      %dma_wait3A_180 = arith.constant 200 : i32
      %dma_wait3A_181 = arith.constant 0 : i32
      %dma_wait3A_182 = tpu.memref_slice %arg9[%dma_wait3A_180, %dma_wait3A_181] : memref<400x64xf32, #tpu.memory_space<vmem>> -> memref<128x64xf32, #tpu.memory_space<vmem>>
      %dma_wait3A_183 = arith.constant 0 : i32
      %dma_wait3A_184 = tpu.memref_slice %arg6[%dma_wait3A_179, %dma_wait3A_183] : memref<128x200xi32, #tpu.memory_space<vmem>> -> memref<1x128xi32, #tpu.memory_space<vmem>>
      %dma_wait3A_185 = tpu.memref_squeeze %dma_wait3A_184 : memref<1x128xi32, #tpu.memory_space<vmem>> -> memref<128xi32, #tpu.memory_space<vmem>>
      %dma_wait3A_186 = arith.constant 0 : i32
      %dma_wait3A_187 = arith.constant 0 : i32
      %dma_wait3A_188 = tpu.memref_slice %arg2[%dma_wait3A_186, %dma_wait3A_187] : memref<2000000x64xf32, #tpu.memory_space<hbm>> -> memref<2000000x64xf32, #tpu.memory_space<hbm>>
      tpu.wait_indirect_dma semaphore(%arg12 : memref<!tpu.dma_semaphore, #tpu.memory_space<semaphore_mem>>) src(%dma_wait3A_188 : memref<2000000x64xf32, #tpu.memory_space<hbm>>) dst(%dma_wait3A_182 : memref<128x64xf32, #tpu.memory_space<vmem>>)
      %dma_wait3A_189 = arith.constant 0 : i32
      %dma_wait3A_190 = arith.constant 328 : i32
      %dma_wait3A_191 = arith.constant 0 : i32
      %dma_wait3A_192 = tpu.memref_slice %arg9[%dma_wait3A_190, %dma_wait3A_191] : memref<400x64xf32, #tpu.memory_space<vmem>> -> memref<72x64xf32, #tpu.memory_space<vmem>>
      %dma_wait3A_193 = arith.constant 128 : i32
      %dma_wait3A_194 = tpu.memref_slice %arg6[%dma_wait3A_189, %dma_wait3A_193] : memref<128x200xi32, #tpu.memory_space<vmem>> -> memref<1x72xi32, #tpu.memory_space<vmem>>
      %dma_wait3A_195 = tpu.memref_squeeze %dma_wait3A_194 : memref<1x72xi32, #tpu.memory_space<vmem>> -> memref<72xi32, #tpu.memory_space<vmem>>
      %dma_wait3A_196 = arith.constant 0 : i32
      %dma_wait3A_197 = arith.constant 0 : i32
      %dma_wait3A_198 = tpu.memref_slice %arg2[%dma_wait3A_196, %dma_wait3A_197] : memref<2000000x64xf32, #tpu.memory_space<hbm>> -> memref<2000000x64xf32, #tpu.memory_space<hbm>>
      tpu.wait_indirect_dma semaphore(%arg12 : memref<!tpu.dma_semaphore, #tpu.memory_space<semaphore_mem>>) src(%dma_wait3A_198 : memref<2000000x64xf32, #tpu.memory_space<hbm>>) dst(%dma_wait3A_192 : memref<72x64xf32, #tpu.memory_space<vmem>>)
      %add3A_199 = arith.constant 1 : i32
      %add3A_200 = arith.addi %mul3A_49, %add3A_199 : i32
      %broadcast_in_dim3A_201 = arith.constant 0.000000e+00 : f32
      %broadcast_in_dim3A_202 = vector.broadcast %broadcast_in_dim3A_201 : f32 to vector<16xf32>
      %scan3A_203 = arith.constant 0 : i32
      %scan3A_204 = arith.constant 50 : i32
      %scan3A_205 = arith.addi %scan3A_203, %scan3A_204 : i32
      %scan3A_206 = arith.constant 1 : i32
      %scan3A_207:8 = scf.for %scan3A_233 = %scan3A_203 to %scan3A_205 step %scan3A_206 iter_args(%scan3A_234 = %broadcast_in_dim3A_202, %scan3A_235 = %broadcast_in_dim3A_202, %scan3A_236 = %broadcast_in_dim3A_202, %scan3A_237 = %broadcast_in_dim3A_202, %scan3A_238 = %broadcast_in_dim3A_202, %scan3A_239 = %broadcast_in_dim3A_202, %scan3A_240 = %broadcast_in_dim3A_202, %scan3A_241 = %broadcast_in_dim3A_202) -> (vector<16xf32>, vector<16xf32>, vector<16xf32>, vector<16xf32>, vector<16xf32>, vector<16xf32>, vector<16xf32>, vector<16xf32>)  : i32 {
        %mul3A_242 = arith.constant 8 : i32
        %mul3A_243 = arith.muli %scan3A_233, %mul3A_242 : i32
        %add3A_244 = arith.constant 0 : i32
        %add3A_245 = arith.addi %mul3A_243, %add3A_244 : i32
        %get3A = arith.index_cast %add3A_245 : i32 to index
        %get3A_246 = arith.constant 0 : index
        %get3A_247 = tpu.vector_load %arg9[%get3A, %get3A_246] {strides = array<i32>} : memref<400x64xf32, #tpu.memory_space<vmem>>, vector<1x16xf32>,
        %get3A_248 = vector.shape_cast %get3A_247 : vector<1x16xf32> to vector<16xf32>
        %add3A_249 = arith.addf %scan3A_234, %get3A_248 : vector<16xf32>
        %add3A_250 = arith.constant 0 : i32
        %add3A_251 = arith.addi %mul3A_243, %add3A_250 : i32
        %get3A_252 = arith.index_cast %add3A_251 : i32 to index
        %get3A_253 = arith.constant 16 : index
        %get3A_254 = tpu.vector_load %arg9[%get3A_252, %get3A_253] {strides = array<i32>} : memref<400x64xf32, #tpu.memory_space<vmem>>, vector<1x16xf32>,
        %get3A_255 = vector.shape_cast %get3A_254 : vector<1x16xf32> to vector<16xf32>
        %add3A_256 = arith.addf %scan3A_235, %get3A_255 : vector<16xf32>
        %add3A_257 = arith.constant 0 : i32
        %add3A_258 = arith.addi %mul3A_243, %add3A_257 : i32
        %get3A_259 = arith.index_cast %add3A_258 : i32 to index
        %get3A_260 = arith.constant 32 : index
        %get3A_261 = tpu.vector_load %arg9[%get3A_259, %get3A_260] {strides = array<i32>} : memref<400x64xf32, #tpu.memory_space<vmem>>, vector<1x16xf32>,
        %get3A_262 = vector.shape_cast %get3A_261 : vector<1x16xf32> to vector<16xf32>
        %add3A_263 = arith.addf %scan3A_236, %get3A_262 : vector<16xf32>
        %add3A_264 = arith.constant 0 : i32
        %add3A_265 = arith.addi %mul3A_243, %add3A_264 : i32
        %get3A_266 = arith.index_cast %add3A_265 : i32 to index
        %get3A_267 = arith.constant 48 : index
        %get3A_268 = tpu.vector_load %arg9[%get3A_266, %get3A_267] {strides = array<i32>} : memref<400x64xf32, #tpu.memory_space<vmem>>, vector<1x16xf32>,
        %get3A_269 = vector.shape_cast %get3A_268 : vector<1x16xf32> to vector<16xf32>
        %add3A_270 = arith.addf %scan3A_237, %get3A_269 : vector<16xf32>
        %add3A_271 = arith.constant 1 : i32
        %add3A_272 = arith.addi %mul3A_243, %add3A_271 : i32
        %get3A_273 = arith.index_cast %add3A_272 : i32 to index
        %get3A_274 = arith.constant 0 : index
        %get3A_275 = tpu.vector_load %arg9[%get3A_273, %get3A_274] {strides = array<i32>} : memref<400x64xf32, #tpu.memory_space<vmem>>, vector<1x16xf32>,
        %get3A_276 = vector.shape_cast %get3A_275 : vector<1x16xf32> to vector<16xf32>
        %add3A_277 = arith.addf %scan3A_238, %get3A_276 : vector<16xf32>
        %add3A_278 = arith.constant 1 : i32
        %add3A_279 = arith.addi %mul3A_243, %add3A_278 : i32
        %get3A_280 = arith.index_cast %add3A_279 : i32 to index
        %get3A_281 = arith.constant 16 : index
        %get3A_282 = tpu.vector_load %arg9[%get3A_280, %get3A_281] {strides = array<i32>} : memref<400x64xf32, #tpu.memory_space<vmem>>, vector<1x16xf32>,
        %get3A_283 = vector.shape_cast %get3A_282 : vector<1x16xf32> to vector<16xf32>
        %add3A_284 = arith.addf %scan3A_239, %get3A_283 : vector<16xf32>
        %add3A_285 = arith.constant 1 : i32
        %add3A_286 = arith.addi %mul3A_243, %add3A_285 : i32
        %get3A_287 = arith.index_cast %add3A_286 : i32 to index
        %get3A_288 = arith.constant 32 : index
        %get3A_289 = tpu.vector_load %arg9[%get3A_287, %get3A_288] {strides = array<i32>} : memref<400x64xf32, #tpu.memory_space<vmem>>, vector<1x16xf32>,
        %get3A_290 = vector.shape_cast %get3A_289 : vector<1x16xf32> to vector<16xf32>
        %add3A_291 = arith.addf %scan3A_240, %get3A_290 : vector<16xf32>
        %add3A_292 = arith.constant 1 : i32
        %add3A_293 = arith.addi %mul3A_243, %add3A_292 : i32
        %get3A_294 = arith.index_cast %add3A_293 : i32 to index
        %get3A_295 = arith.constant 48 : index
        %get3A_296 = tpu.vector_load %arg9[%get3A_294, %get3A_295] {strides = array<i32>} : memref<400x64xf32, #tpu.memory_space<vmem>>, vector<1x16xf32>,
        %get3A_297 = vector.shape_cast %get3A_296 : vector<1x16xf32> to vector<16xf32>
        %add3A_298 = arith.addf %scan3A_241, %get3A_297 : vector<16xf32>
        %add3A_299 = arith.constant 2 : i32
        %add3A_300 = arith.addi %mul3A_243, %add3A_299 : i32
        %get3A_301 = arith.index_cast %add3A_300 : i32 to index
        %get3A_302 = arith.constant 0 : index
        %get3A_303 = tpu.vector_load %arg9[%get3A_301, %get3A_302] {strides = array<i32>} : memref<400x64xf32, #tpu.memory_space<vmem>>, vector<1x16xf32>,
        %get3A_304 = vector.shape_cast %get3A_303 : vector<1x16xf32> to vector<16xf32>
        %add3A_305 = arith.addf %add3A_249, %get3A_304 : vector<16xf32>
        %add3A_306 = arith.constant 2 : i32
        %add3A_307 = arith.addi %mul3A_243, %add3A_306 : i32
        %get3A_308 = arith.index_cast %add3A_307 : i32 to index
        %get3A_309 = arith.constant 16 : index
        %get3A_310 = tpu.vector_load %arg9[%get3A_308, %get3A_309] {strides = array<i32>} : memref<400x64xf32, #tpu.memory_space<vmem>>, vector<1x16xf32>,
        %get3A_311 = vector.shape_cast %get3A_310 : vector<1x16xf32> to vector<16xf32>
        %add3A_312 = arith.addf %add3A_256, %get3A_311 : vector<16xf32>
        %add3A_313 = arith.constant 2 : i32
        %add3A_314 = arith.addi %mul3A_243, %add3A_313 : i32
        %get3A_315 = arith.index_cast %add3A_314 : i32 to index
        %get3A_316 = arith.constant 32 : index
        %get3A_317 = tpu.vector_load %arg9[%get3A_315, %get3A_316] {strides = array<i32>} : memref<400x64xf32, #tpu.memory_space<vmem>>, vector<1x16xf32>,
        %get3A_318 = vector.shape_cast %get3A_317 : vector<1x16xf32> to vector<16xf32>
        %add3A_319 = arith.addf %add3A_263, %get3A_318 : vector<16xf32>
        %add3A_320 = arith.constant 2 : i32
        %add3A_321 = arith.addi %mul3A_243, %add3A_320 : i32
        %get3A_322 = arith.index_cast %add3A_321 : i32 to index
        %get3A_323 = arith.constant 48 : index
        %get3A_324 = tpu.vector_load %arg9[%get3A_322, %get3A_323] {strides = array<i32>} : memref<400x64xf32, #tpu.memory_space<vmem>>, vector<1x16xf32>,
        %get3A_325 = vector.shape_cast %get3A_324 : vector<1x16xf32> to vector<16xf32>
        %add3A_326 = arith.addf %add3A_270, %get3A_325 : vector<16xf32>
        %add3A_327 = arith.constant 3 : i32
        %add3A_328 = arith.addi %mul3A_243, %add3A_327 : i32
        %get3A_329 = arith.index_cast %add3A_328 : i32 to index
        %get3A_330 = arith.constant 0 : index
        %get3A_331 = tpu.vector_load %arg9[%get3A_329, %get3A_330] {strides = array<i32>} : memref<400x64xf32, #tpu.memory_space<vmem>>, vector<1x16xf32>,
        %get3A_332 = vector.shape_cast %get3A_331 : vector<1x16xf32> to vector<16xf32>
        %add3A_333 = arith.addf %add3A_277, %get3A_332 : vector<16xf32>
        %add3A_334 = arith.constant 3 : i32
        %add3A_335 = arith.addi %mul3A_243, %add3A_334 : i32
        %get3A_336 = arith.index_cast %add3A_335 : i32 to index
        %get3A_337 = arith.constant 16 : index
        %get3A_338 = tpu.vector_load %arg9[%get3A_336, %get3A_337] {strides = array<i32>} : memref<400x64xf32, #tpu.memory_space<vmem>>, vector<1x16xf32>,
        %get3A_339 = vector.shape_cast %get3A_338 : vector<1x16xf32> to vector<16xf32>
        %add3A_340 = arith.addf %add3A_284, %get3A_339 : vector<16xf32>
        %add3A_341 = arith.constant 3 : i32
        %add3A_342 = arith.addi %mul3A_243, %add3A_341 : i32
        %get3A_343 = arith.index_cast %add3A_342 : i32 to index
        %get3A_344 = arith.constant 32 : index
        %get3A_345 = tpu.vector_load %arg9[%get3A_343, %get3A_344] {strides = array<i32>} : memref<400x64xf32, #tpu.memory_space<vmem>>, vector<1x16xf32>,
        %get3A_346 = vector.shape_cast %get3A_345 : vector<1x16xf32> to vector<16xf32>
        %add3A_347 = arith.addf %add3A_291, %get3A_346 : vector<16xf32>
        %add3A_348 = arith.constant 3 : i32
        %add3A_349 = arith.addi %mul3A_243, %add3A_348 : i32
        %get3A_350 = arith.index_cast %add3A_349 : i32 to index
        %get3A_351 = arith.constant 48 : index
        %get3A_352 = tpu.vector_load %arg9[%get3A_350, %get3A_351] {strides = array<i32>} : memref<400x64xf32, #tpu.memory_space<vmem>>, vector<1x16xf32>,
        %get3A_353 = vector.shape_cast %get3A_352 : vector<1x16xf32> to vector<16xf32>
        %add3A_354 = arith.addf %add3A_298, %get3A_353 : vector<16xf32>
        %add3A_355 = arith.constant 4 : i32
        %add3A_356 = arith.addi %mul3A_243, %add3A_355 : i32
        %get3A_357 = arith.index_cast %add3A_356 : i32 to index
        %get3A_358 = arith.constant 0 : index
        %get3A_359 = tpu.vector_load %arg9[%get3A_357, %get3A_358] {strides = array<i32>} : memref<400x64xf32, #tpu.memory_space<vmem>>, vector<1x16xf32>,
        %get3A_360 = vector.shape_cast %get3A_359 : vector<1x16xf32> to vector<16xf32>
        %add3A_361 = arith.addf %add3A_305, %get3A_360 : vector<16xf32>
        %add3A_362 = arith.constant 4 : i32
        %add3A_363 = arith.addi %mul3A_243, %add3A_362 : i32
        %get3A_364 = arith.index_cast %add3A_363 : i32 to index
        %get3A_365 = arith.constant 16 : index
        %get3A_366 = tpu.vector_load %arg9[%get3A_364, %get3A_365] {strides = array<i32>} : memref<400x64xf32, #tpu.memory_space<vmem>>, vector<1x16xf32>,
        %get3A_367 = vector.shape_cast %get3A_366 : vector<1x16xf32> to vector<16xf32>
        %add3A_368 = arith.addf %add3A_312, %get3A_367 : vector<16xf32>
        %add3A_369 = arith.constant 4 : i32
        %add3A_370 = arith.addi %mul3A_243, %add3A_369 : i32
        %get3A_371 = arith.index_cast %add3A_370 : i32 to index
        %get3A_372 = arith.constant 32 : index
        %get3A_373 = tpu.vector_load %arg9[%get3A_371, %get3A_372] {strides = array<i32>} : memref<400x64xf32, #tpu.memory_space<vmem>>, vector<1x16xf32>,
        %get3A_374 = vector.shape_cast %get3A_373 : vector<1x16xf32> to vector<16xf32>
        %add3A_375 = arith.addf %add3A_319, %get3A_374 : vector<16xf32>
        %add3A_376 = arith.constant 4 : i32
        %add3A_377 = arith.addi %mul3A_243, %add3A_376 : i32
        %get3A_378 = arith.index_cast %add3A_377 : i32 to index
        %get3A_379 = arith.constant 48 : index
        %get3A_380 = tpu.vector_load %arg9[%get3A_378, %get3A_379] {strides = array<i32>} : memref<400x64xf32, #tpu.memory_space<vmem>>, vector<1x16xf32>,
        %get3A_381 = vector.shape_cast %get3A_380 : vector<1x16xf32> to vector<16xf32>
        %add3A_382 = arith.addf %add3A_326, %get3A_381 : vector<16xf32>
        %add3A_383 = arith.constant 5 : i32
        %add3A_384 = arith.addi %mul3A_243, %add3A_383 : i32
        %get3A_385 = arith.index_cast %add3A_384 : i32 to index
        %get3A_386 = arith.constant 0 : index
        %get3A_387 = tpu.vector_load %arg9[%get3A_385, %get3A_386] {strides = array<i32>} : memref<400x64xf32, #tpu.memory_space<vmem>>, vector<1x16xf32>,
        %get3A_388 = vector.shape_cast %get3A_387 : vector<1x16xf32> to vector<16xf32>
        %add3A_389 = arith.addf %add3A_333, %get3A_388 : vector<16xf32>
        %add3A_390 = arith.constant 5 : i32
        %add3A_391 = arith.addi %mul3A_243, %add3A_390 : i32
        %get3A_392 = arith.index_cast %add3A_391 : i32 to index
        %get3A_393 = arith.constant 16 : index
        %get3A_394 = tpu.vector_load %arg9[%get3A_392, %get3A_393] {strides = array<i32>} : memref<400x64xf32, #tpu.memory_space<vmem>>, vector<1x16xf32>,
        %get3A_395 = vector.shape_cast %get3A_394 : vector<1x16xf32> to vector<16xf32>
        %add3A_396 = arith.addf %add3A_340, %get3A_395 : vector<16xf32>
        %add3A_397 = arith.constant 5 : i32
        %add3A_398 = arith.addi %mul3A_243, %add3A_397 : i32
        %get3A_399 = arith.index_cast %add3A_398 : i32 to index
        %get3A_400 = arith.constant 32 : index
        %get3A_401 = tpu.vector_load %arg9[%get3A_399, %get3A_400] {strides = array<i32>} : memref<400x64xf32, #tpu.memory_space<vmem>>, vector<1x16xf32>,
        %get3A_402 = vector.shape_cast %get3A_401 : vector<1x16xf32> to vector<16xf32>
        %add3A_403 = arith.addf %add3A_347, %get3A_402 : vector<16xf32>
        %add3A_404 = arith.constant 5 : i32
        %add3A_405 = arith.addi %mul3A_243, %add3A_404 : i32
        %get3A_406 = arith.index_cast %add3A_405 : i32 to index
        %get3A_407 = arith.constant 48 : index
        %get3A_408 = tpu.vector_load %arg9[%get3A_406, %get3A_407] {strides = array<i32>} : memref<400x64xf32, #tpu.memory_space<vmem>>, vector<1x16xf32>,
        %get3A_409 = vector.shape_cast %get3A_408 : vector<1x16xf32> to vector<16xf32>
        %add3A_410 = arith.addf %add3A_354, %get3A_409 : vector<16xf32>
        %add3A_411 = arith.constant 6 : i32
        %add3A_412 = arith.addi %mul3A_243, %add3A_411 : i32
        %get3A_413 = arith.index_cast %add3A_412 : i32 to index
        %get3A_414 = arith.constant 0 : index
        %get3A_415 = tpu.vector_load %arg9[%get3A_413, %get3A_414] {strides = array<i32>} : memref<400x64xf32, #tpu.memory_space<vmem>>, vector<1x16xf32>,
        %get3A_416 = vector.shape_cast %get3A_415 : vector<1x16xf32> to vector<16xf32>
        %add3A_417 = arith.addf %add3A_361, %get3A_416 : vector<16xf32>
        %add3A_418 = arith.constant 6 : i32
        %add3A_419 = arith.addi %mul3A_243, %add3A_418 : i32
        %get3A_420 = arith.index_cast %add3A_419 : i32 to index
        %get3A_421 = arith.constant 16 : index
        %get3A_422 = tpu.vector_load %arg9[%get3A_420, %get3A_421] {strides = array<i32>} : memref<400x64xf32, #tpu.memory_space<vmem>>, vector<1x16xf32>,
        %get3A_423 = vector.shape_cast %get3A_422 : vector<1x16xf32> to vector<16xf32>
        %add3A_424 = arith.addf %add3A_368, %get3A_423 : vector<16xf32>
        %add3A_425 = arith.constant 6 : i32
        %add3A_426 = arith.addi %mul3A_243, %add3A_425 : i32
        %get3A_427 = arith.index_cast %add3A_426 : i32 to index
        %get3A_428 = arith.constant 32 : index
        %get3A_429 = tpu.vector_load %arg9[%get3A_427, %get3A_428] {strides = array<i32>} : memref<400x64xf32, #tpu.memory_space<vmem>>, vector<1x16xf32>,
        %get3A_430 = vector.shape_cast %get3A_429 : vector<1x16xf32> to vector<16xf32>
        %add3A_431 = arith.addf %add3A_375, %get3A_430 : vector<16xf32>
        %add3A_432 = arith.constant 6 : i32
        %add3A_433 = arith.addi %mul3A_243, %add3A_432 : i32
        %get3A_434 = arith.index_cast %add3A_433 : i32 to index
        %get3A_435 = arith.constant 48 : index
        %get3A_436 = tpu.vector_load %arg9[%get3A_434, %get3A_435] {strides = array<i32>} : memref<400x64xf32, #tpu.memory_space<vmem>>, vector<1x16xf32>,
        %get3A_437 = vector.shape_cast %get3A_436 : vector<1x16xf32> to vector<16xf32>
        %add3A_438 = arith.addf %add3A_382, %get3A_437 : vector<16xf32>
        %add3A_439 = arith.constant 7 : i32
        %add3A_440 = arith.addi %mul3A_243, %add3A_439 : i32
        %get3A_441 = arith.index_cast %add3A_440 : i32 to index
        %get3A_442 = arith.constant 0 : index
        %get3A_443 = tpu.vector_load %arg9[%get3A_441, %get3A_442] {strides = array<i32>} : memref<400x64xf32, #tpu.memory_space<vmem>>, vector<1x16xf32>,
        %get3A_444 = vector.shape_cast %get3A_443 : vector<1x16xf32> to vector<16xf32>
        %add3A_445 = arith.addf %add3A_389, %get3A_444 : vector<16xf32>
        %add3A_446 = arith.constant 7 : i32
        %add3A_447 = arith.addi %mul3A_243, %add3A_446 : i32
        %get3A_448 = arith.index_cast %add3A_447 : i32 to index
        %get3A_449 = arith.constant 16 : index
        %get3A_450 = tpu.vector_load %arg9[%get3A_448, %get3A_449] {strides = array<i32>} : memref<400x64xf32, #tpu.memory_space<vmem>>, vector<1x16xf32>,
        %get3A_451 = vector.shape_cast %get3A_450 : vector<1x16xf32> to vector<16xf32>
        %add3A_452 = arith.addf %add3A_396, %get3A_451 : vector<16xf32>
        %add3A_453 = arith.constant 7 : i32
        %add3A_454 = arith.addi %mul3A_243, %add3A_453 : i32
        %get3A_455 = arith.index_cast %add3A_454 : i32 to index
        %get3A_456 = arith.constant 32 : index
        %get3A_457 = tpu.vector_load %arg9[%get3A_455, %get3A_456] {strides = array<i32>} : memref<400x64xf32, #tpu.memory_space<vmem>>, vector<1x16xf32>,
        %get3A_458 = vector.shape_cast %get3A_457 : vector<1x16xf32> to vector<16xf32>
        %add3A_459 = arith.addf %add3A_403, %get3A_458 : vector<16xf32>
        %add3A_460 = arith.constant 7 : i32
        %add3A_461 = arith.addi %mul3A_243, %add3A_460 : i32
        %get3A_462 = arith.index_cast %add3A_461 : i32 to index
        %get3A_463 = arith.constant 48 : index
        %get3A_464 = tpu.vector_load %arg9[%get3A_462, %get3A_463] {strides = array<i32>} : memref<400x64xf32, #tpu.memory_space<vmem>>, vector<1x16xf32>,
        %get3A_465 = vector.shape_cast %get3A_464 : vector<1x16xf32> to vector<16xf32>
        %add3A_466 = arith.addf %add3A_410, %get3A_465 : vector<16xf32>
        scf.yield %add3A_417, %add3A_424, %add3A_431, %add3A_438, %add3A_445, %add3A_452, %add3A_459, %add3A_466 : vector<16xf32>, vector<16xf32>, vector<16xf32>, vector<16xf32>, vector<16xf32>, vector<16xf32>, vector<16xf32>, vector<16xf32>
      }
      %scan3A_208 = arith.constant 50 : i32
      %add3A_209 = arith.addf %scan3A_207#0, %scan3A_207#4 : vector<16xf32>
      %swap3A_210 = arith.index_cast %add3A_200 : i32 to index
      %swap3A_211 = arith.constant 0 : index
      %swap3A_212 = tpu.vector_load %arg10[%swap3A_210, %swap3A_211] {strides = array<i32>} : memref<128x64xf32, #tpu.memory_space<vmem>>, vector<1x16xf32>,
      %swap3A_213 = vector.shape_cast %swap3A_212 : vector<1x16xf32> to vector<16xf32>
      %swap3A_214 = vector.shape_cast %add3A_209 : vector<16xf32> to vector<1x16xf32>
      tpu.vector_store %arg10[%swap3A_210, %swap3A_211], %swap3A_214 {strides = array<i32>} : memref<128x64xf32, #tpu.memory_space<vmem>>, vector<1x16xf32>,
      %add3A_215 = arith.addf %scan3A_207#1, %scan3A_207#5 : vector<16xf32>
      %swap3A_216 = arith.index_cast %add3A_200 : i32 to index
      %swap3A_217 = arith.constant 16 : index
      %swap3A_218 = tpu.vector_load %arg10[%swap3A_216, %swap3A_217] {strides = array<i32>} : memref<128x64xf32, #tpu.memory_space<vmem>>, vector<1x16xf32>,
      %swap3A_219 = vector.shape_cast %swap3A_218 : vector<1x16xf32> to vector<16xf32>
      %swap3A_220 = vector.shape_cast %add3A_215 : vector<16xf32> to vector<1x16xf32>
      tpu.vector_store %arg10[%swap3A_216, %swap3A_217], %swap3A_220 {strides = array<i32>} : memref<128x64xf32, #tpu.memory_space<vmem>>, vector<1x16xf32>,
      %add3A_221 = arith.addf %scan3A_207#2, %scan3A_207#6 : vector<16xf32>
      %swap3A_222 = arith.index_cast %add3A_200 : i32 to index
      %swap3A_223 = arith.constant 32 : index
      %swap3A_224 = tpu.vector_load %arg10[%swap3A_222, %swap3A_223] {strides = array<i32>} : memref<128x64xf32, #tpu.memory_space<vmem>>, vector<1x16xf32>,
      %swap3A_225 = vector.shape_cast %swap3A_224 : vector<1x16xf32> to vector<16xf32>
      %swap3A_226 = vector.shape_cast %add3A_221 : vector<16xf32> to vector<1x16xf32>
      tpu.vector_store %arg10[%swap3A_222, %swap3A_223], %swap3A_226 {strides = array<i32>} : memref<128x64xf32, #tpu.memory_space<vmem>>, vector<1x16xf32>,
      %add3A_227 = arith.addf %scan3A_207#3, %scan3A_207#7 : vector<16xf32>
      %swap3A_228 = arith.index_cast %add3A_200 : i32 to index
      %swap3A_229 = arith.constant 48 : index
      %swap3A_230 = tpu.vector_load %arg10[%swap3A_228, %swap3A_229] {strides = array<i32>} : memref<128x64xf32, #tpu.memory_space<vmem>>, vector<1x16xf32>,
      %swap3A_231 = vector.shape_cast %swap3A_230 : vector<1x16xf32> to vector<16xf32>
      %swap3A_232 = vector.shape_cast %add3A_227 : vector<16xf32> to vector<1x16xf32>
      tpu.vector_store %arg10[%swap3A_228, %swap3A_229], %swap3A_232 {strides = array<i32>} : memref<128x64xf32, #tpu.memory_space<vmem>>, vector<1x16xf32>,
    }
    %scan3A_46 = arith.constant 64 : i32
    "tpu.region"() ({
      %run_scoped3A = tpu.sem_alloc : memref<!tpu.dma_semaphore, #tpu.memory_space<semaphore_mem>>
      %dma_start3A_47 = arith.constant 0 : i32
      %dma_start3A_48 = tpu.memref_slice %arg5[%mul3A_2, %dma_start3A_47] : memref<4096x64xf32, #tpu.memory_space<hbm>> -> memref<128x64xf32, #tpu.memory_space<hbm>>
      %dma_start3A_49 = arith.constant 0 : i32
      %dma_start3A_50 = tpu.memref_slice %arg5[%mul3A_2, %dma_start3A_49] : memref<4096x64xf32, #tpu.memory_space<hbm>> -> memref<128x64xf32, #tpu.memory_space<hbm>>
      tpu.enqueue_dma source(%arg10 : memref<128x64xf32, #tpu.memory_space<vmem>>) target(%dma_start3A_50 : memref<128x64xf32, #tpu.memory_space<hbm>>) target_semaphore(%run_scoped3A : memref<!tpu.dma_semaphore, #tpu.memory_space<semaphore_mem>>)
      %dma_wait3A = arith.constant 0 : i32
      %dma_wait3A_51 = tpu.memref_slice %arg5[%mul3A_2, %dma_wait3A] : memref<4096x64xf32, #tpu.memory_space<hbm>> -> memref<128x64xf32, #tpu.memory_space<hbm>>
      %dma_wait3A_52 = arith.constant 0 : i32
      %dma_wait3A_53 = tpu.memref_slice %arg5[%mul3A_2, %dma_wait3A_52] : memref<4096x64xf32, #tpu.memory_space<hbm>> -> memref<128x64xf32, #tpu.memory_space<hbm>>
      tpu.wait_dma2 semaphore(%run_scoped3A : memref<!tpu.dma_semaphore, #tpu.memory_space<semaphore_mem>>) src(%arg10 : memref<128x64xf32, #tpu.memory_space<vmem>>) dst(%dma_wait3A_53 : memref<128x64xf32, #tpu.memory_space<hbm>>)
      tpu.yield
    }) : () -> ()
    return
  }
}

module attributes {stable_mosaic.version = 14 : i64} {
  func.func @_mlp_body(%arg0: memref<4096x64xf32, #tpu.memory_space<vmem>>, %arg1: memref<64x128xf32, #tpu.memory_space<vmem>>, %arg2: memref<1x128xf32, #tpu.memory_space<vmem>>, %arg3: memref<128x4xf32, #tpu.memory_space<vmem>>, %arg4: memref<1x4xf32, #tpu.memory_space<vmem>>, %arg5: memref<4096x4xf32, #tpu.memory_space<vmem>>) attributes {dimension_semantics = [], scalar_prefetch = 0 : i64, scratch_operands = 0 : i64, tpu.core_type = #tpu.core_type<tc>} {
    %get3A = arith.constant 0 : index
    %get3A_0 = arith.constant 0 : index
    %get3A_1 = vector.load %arg0[%get3A, %get3A_0] : memref<4096x64xf32, #tpu.memory_space<vmem>>, vector<4096x64xf32>
    %mul3A = arith.constant 2.500000e-03 : f32
    %mul3A_2 = vector.broadcast %mul3A : f32 to vector<4096x64xf32>
    %mul3A_3 = arith.mulf %get3A_1, %mul3A_2 : vector<4096x64xf32>
    %get3A_4 = arith.constant 0 : index
    %get3A_5 = arith.constant 0 : index
    %get3A_6 = vector.load %arg1[%get3A_4, %get3A_5] : memref<64x128xf32, #tpu.memory_space<vmem>>, vector<64x128xf32>
    %dot_general3A = arith.constant dense<0.000000e+00> : vector<4096x128xf32>
    %dot_general3A_7 = tpu.matmul %mul3A_3, %get3A_6, %dot_general3A {dimension_numbers = #tpu.dot_dimension_numbers<[1], [0], [0], [1], [0, 0, 1, 1], [], []>, transpose_lhs_hint = false} : vector<4096x64xf32>, vector<64x128xf32>, vector<4096x128xf32> -> vector<4096x128xf32>
    %get3A_8 = arith.constant 0 : index
    %get3A_9 = arith.constant 0 : index
    %get3A_10 = vector.load %arg2[%get3A_8, %get3A_9] : memref<1x128xf32, #tpu.memory_space<vmem>>, vector<1x128xf32>
    %add3A = vector.broadcast %get3A_10 : vector<1x128xf32> to vector<4096x128xf32>
    %add3A_11 = arith.addf %dot_general3A_7, %add3A : vector<4096x128xf32>
    %max3A = arith.constant 0.000000e+00 : f32
    %max3A_12 = vector.broadcast %max3A : f32 to vector<4096x128xf32>
    %max3A_13 = arith.maximumf %add3A_11, %max3A_12 : vector<4096x128xf32>
    %get3A_14 = arith.constant 0 : index
    %get3A_15 = arith.constant 0 : index
    %get3A_16 = vector.load %arg3[%get3A_14, %get3A_15] : memref<128x4xf32, #tpu.memory_space<vmem>>, vector<128x4xf32>
    %dot_general3A_17 = arith.constant dense<0.000000e+00> : vector<4096x4xf32>
    %dot_general3A_18 = tpu.matmul %max3A_13, %get3A_16, %dot_general3A_17 {dimension_numbers = #tpu.dot_dimension_numbers<[1], [0], [0], [1], [0, 0, 1, 1], [], []>, transpose_lhs_hint = false} : vector<4096x128xf32>, vector<128x4xf32>, vector<4096x4xf32> -> vector<4096x4xf32>
    %get3A_19 = arith.constant 0 : index
    %get3A_20 = arith.constant 0 : index
    %get3A_21 = vector.load %arg4[%get3A_19, %get3A_20] : memref<1x4xf32, #tpu.memory_space<vmem>>, vector<1x4xf32>
    %add3A_22 = vector.broadcast %get3A_21 : vector<1x4xf32> to vector<4096x4xf32>
    %add3A_23 = arith.addf %dot_general3A_18, %add3A_22 : vector<4096x4xf32>
    %swap3A = arith.constant 0 : index
    %swap3A_24 = arith.constant 0 : index
    %swap3A_25 = vector.load %arg5[%swap3A, %swap3A_24] : memref<4096x4xf32, #tpu.memory_space<vmem>>, vector<4096x4xf32>
    tpu.vector_store %arg5[%swap3A, %swap3A_24], %add3A_23 {strides = array<i32>} : memref<4096x4xf32, #tpu.memory_space<vmem>>, vector<4096x4xf32>,
    return
  }
}

</mosaic_0001>

<sc_bundles>
// kernel: kernel.4.cloned.1.call-start
scs
__scs_entry_jumppad:
0x0: {  	(pc) =	sbr.rel $0x88, $3  }
0x1: {  	(tag) =	ssettag $0x0;
	lr =	simm.s32 $0x1  }
0x2: {  	[smem:$0x3F9A] =	sst lr;
	_ =	strace $0xD0000000  }
0x3: {  	_ = 	snop  }
0x4: {  	_ = 	snop  }
0x5: {  	_ = 	snop  }
0x6: {  	_ = 	snop  }
0x7: {  	_ = 	snop  }
__scs_overlays_trampoline_lowered:
0x8: {  	[smem:$0x3FA9] =	sst s0  }
0x9: {  	[smem:$0x3FAA] =	sst s1  }
0xa: {  	[smem:$0x3FAB] =	sst s2  }
0xb: {  	[smem:$0x3FAC] =	sst s3  }
0xc: {  	[smem:$0x3FAD] =	sst s4  }
0xd: {  	[smem:$0x3FAE] =	sst s5  }
0xe: {  	[smem:$0x3FAF] =	sst s6  }
0xf: {  	[smem:$0x3FB0] =	sst s7  }
0x10: {  	[smem:$0x3FB1] =	sst s8  }
0x11: {  	[smem:$0x3FB2] =	sst s9;
	s0 =	simm.s32 @!p0 $0x0  }
0x12: {  	s1 =	sld [smem:$0x3F98];
	s0 =	simm.s32 @p0 $0x1  }
0x13: {  	[smem:$0x3FB3] =	sst s0;
	s0 =	simm.s32 @!p1 $0x0  }
0x14: {  	s2 =	sld [smem:$0x3F97];
	s0 =	simm.s32 @p1 $0x1  }
0x15: {  	[smem:$0x3FB4] =	sst s0;
	s0 =	simm.s32 @!p2 $0x0  }
0x16: {  	s3 =	sld [smem:$0x3FDB];
	s0 =	simm.s32 @p2 $0x1  }
0x17: {  	s4 =	simm.s32 $0x1BF5;
	[smem:$0x3FB6] =	sst s0  }
0x18: {  	s0 =	sld [smem:$0x3F99];
	_ =	swait.ge [sflag:s4], $0x0  }
0x19: {  	s7 =	sld [smem:$0x3F9A]  }
0x1a: {  	s8 =	sadd.s32 $0xFFFFE003, lr  }
0x1b: {  	s9 =	sadd.s32 $0xFFFFFEF7, lr;
	s5 =	simm.s32 $0xFFFFFFFF;
	p2 =	slt.u32 s8, $0xFFFFF086  }
0x1c: {  	p1 =	slt.u32 s9, $0xF7A;
	s5 =	simm.s32 @!p2 $0x0  }
0x1d: {  	s5 =	simm.s32 @p1 $0x1;
	p0 =	seq.s32 s7, s2  }
0x1e: {  	s7 =	smul.u32 @!p0 $0xF7A, s2;
	p2 =	seq.s32 @!p0 s5, $0x0  }
0x1f: {  	s9 =	smul.u32 $0xF7A, s1;
	s8 =	simm.s32 @!p0 $0x1BF5;
	p2 =	por !p2, p0  }
0x20: {  	[sflag:s8] =	ssyncset.s32 @!p0 $0xFFFFF086;
	s6 =	sadd.s32 @!p0 s3, s7;
	s7 =	simm.s32 @!p0 $0x108  }
0x21: {  	s3 =	sadd.s32 s3, s9;
	s6 =	sadd.s32 @!p0 $0x88, s6;
	s7 =	simm.s32 @p2 $0x1082  }
0x22: {  	[simem:s7], [sflag:s8] =	dma.local @!p0 [hbm:s6], $0xF7A  }
0x23: {  	s9 =	sor.u32 $0xD0000000, s2;
	s6 =	simm.s32 $0x108;
	_ =	swait.ge @!p0 [sflag:s8], $0x0  }
0x24: {  	s3 =	sadd.s32 $0x88, s3;
	s6 =	simm.s32 @!p1 $0x1082;
	[sflag:s4] =	ssyncset.s32 $0xFFFFF086  }
0x25: {  	[simem:s6], [sflag:s4] =	dma.local [hbm:s3], $0xF7A  }
0x26: {  	[smem:$0x3F9A] =	sst s1;
	(tag) =	ssettag s2;
	_ =	strace s9  }
0x27: {  	s1 =	sld [smem:$0x3FAA]  }
0x28: {  	s2 =	sld [smem:$0x3FAB]  }
0x29: {  	s4 =	sld [smem:$0x3FAD]  }
0x2a: {  	p0 =	seq.s32 s5, $0x0;
	s5 =	sld [smem:$0x3FAE]  }
0x2b: {  	s6 =	sld [smem:$0x3FAF]  }
0x2c: {  	s7 =	sld [smem:$0x3FB0]  }
0x2d: {  	s3 =	simm.s32 $0x108;
	s8 =	sld [smem:$0x3FB1]  }
0x2e: {  	s3 =	simm.s32 @!p0 $0x1082;
	s9 =	sld [smem:$0x3FB2]  }
0x2f: {  	lr =	sadd.s32 s0, s3;
	s0 =	sld [smem:$0x3FA9]  }
0x30: {  	s3 =	sld [smem:$0x3FAC]  }
0x31: {  	[smem:$0x3FB5] =	sst s10  }
0x32: {  	s10 =	sld [smem:$0x3FB3];
	_ =	sdelay $0x3  }
0x33: {  	p0 =	seq.s32 s10, $0x1;
	s10 =	sld [smem:$0x3FB5];
	_ =	sdelay $0x3  }
0x34: {  	[smem:$0x3FB5] =	sst s10  }
0x35: {  	s10 =	sld [smem:$0x3FB4];
	_ =	sdelay $0x3  }
0x36: {  	p1 =	seq.s32 s10, $0x1;
	s10 =	sld [smem:$0x3FB5];
	_ =	sdelay $0x3  }
0x37: {  	[smem:$0x3FB5] =	sst s10  }
0x38: {  	s10 =	sld [smem:$0x3FB6]  }
0x39: {  	_ = 	snop;
	(pc) =	sbr.ind lr, $3  }
0x3a: {  	_ = 	snop  }
0x3b: {  	_ = 	snop  }
0x3c: {  	p2 =	seq.s32 s10, $0x1;
	s10 =	sld [smem:$0x3FB5]  }
0x3d: {  	_ =	shalt  }
0x3e: {  	_ =	shalt  }
0x3f: {  	_ =	shalt  }
0x40: {  	_ =	shalt  }
0x41: {  	_ =	shalt  }
0x42: {  	_ =	shalt  }
0x43: {  	_ =	shalt  }
0x44: {  	_ =	shalt  }
0x45: {  	_ =	shalt  }
0x46: {  	_ =	shalt  }
0x47: {  	_ =	shalt  }
0x48: {  	_ =	shalt  }
0x49: {  	_ =	shalt  }
0x4a: {  	_ =	shalt  }
0x4b: {  	_ =	shalt  }
0x4c: {  	_ =	shalt  }
0x4d: {  	_ =	shalt  }
0x4e: {  	_ =	shalt  }
0x4f: {  	_ =	shalt  }
0x50: {  	_ =	shalt  }
0x51: {  	_ =	shalt  }
0x52: {  	_ =	shalt  }
0x53: {  	_ =	shalt  }
0x54: {  	_ =	shalt  }
0x55: {  	_ =	shalt  }
0x56: {  	_ =	shalt  }
0x57: {  	_ =	shalt  }
0x58: {  	_ =	shalt  }
0x59: {  	_ =	shalt  }
0x5a: {  	_ =	shalt  }
0x5b: {  	_ =	shalt  }
0x5c: {  	_ =	shalt  }
0x5d: {  	_ =	shalt  }
0x5e: {  	_ =	shalt  }
0x5f: {  	_ =	shalt  }
0x60: {  	_ =	shalt  }
0x61: {  	_ =	shalt  }
0x62: {  	_ =	shalt  }
0x63: {  	_ =	shalt  }
0x64: {  	_ =	shalt  }
0x65: {  	_ =	shalt  }
0x66: {  	_ =	shalt  }
0x67: {  	_ =	shalt  }
0x68: {  	_ =	shalt  }
0x69: {  	_ =	shalt  }
0x6a: {  	_ =	shalt  }
0x6b: {  	_ =	shalt  }
0x6c: {  	_ =	shalt  }
0x6d: {  	_ =	shalt  }
0x6e: {  	_ =	shalt  }
0x6f: {  	_ =	shalt  }
0x70: {  	_ =	shalt  }
0x71: {  	_ =	shalt  }
0x72: {  	_ =	shalt  }
0x73: {  	_ =	shalt  }
0x74: {  	_ =	shalt  }
0x75: {  	_ =	shalt  }
0x76: {  	_ =	shalt  }
0x77: {  	_ =	shalt  }
0x78: {  	_ =	shalt  }
0x79: {  	_ =	shalt  }
0x7a: {  	_ =	shalt  }
0x7b: {  	_ =	shalt  }
0x7c: {  	_ =	shalt  }
0x7d: {  	_ =	shalt  }
0x7e: {  	_ =	shalt  }
0x7f: {  	_ =	shalt  }
0x80: {  	_ =	shalt  }
0x81: {  	_ =	shalt  }
0x82: {  	_ =	shalt  }
0x83: {  	_ =	shalt  }
0x84: {  	_ =	shalt  }
0x85: {  	_ =	shalt  }
0x86: {  	_ =	shalt  }
0x87: {  	_ =	shalt  }
.Lfunc_end0:
.L_simem_size_0:
called_computation.1_lowered:
.L_overlay_start_0:
0x88: {  	s2 =	sld [smem:$0x3FD9]  }
0x89: {  	s3 =	sld [smem:$0x3FFE];
	_ =	sdelay $0x1  }
0x8a: {  	s1 =	srdreg.scid  }
0x8b: {  	s0 =	sand.u32 $0x1, s1  }
0x8c: {  	s16 =	sshll.u32 s0, $0xA;
	s2 =	sadd.s32 s3, s2  }
0x8d: {  	s2 =	sadd.s32 s2, s16  }
0x8e: {  	[smem:$0x3FC1] =	sst s2  }
0x8f: {  	_ = 	snop  }
0x90: {  	(tm) =	ssettm $0x1  }
0x91: {  	s17 =	sld [smem:$0x3FFB];
	_ =	sdelay $0x3  }
0x92: {  	_ =	strace s17  }
0x93: {  	s2 =	sld [smem:$0x3FFC];
	_ =	sdelay $0x3  }
0x94: {  	_ =	strace s2  }
0x95: {  	s2 =	sld [smem:$0x3FFD];
	_ =	sdelay $0x3  }
0x96: {  	_ =	strace s2  }
0x97: {  	_ =	strace $0x8FFFFFFF  }
0x98: {  	s18 =	sld [smem:$0x3FDB];
	_ =	sdelay $0x1  }
0x99: {  	s19 =	simm.s32 $_scs_section_size  }
0x9a: {  	s4 =	simm.s32 $_size__tile_overlayer_lowered;
	s5 =	simm.s32 $_tile_overlayer_lowered  }
0x9b: {  	s22 =	simm.s32 $0x1BFF;
	s21 =	sshll.u32 s5, $0x1;
	s2 =	sadd.s32 s19, s18  }
0x9c: {  	s6 =	simm.s32 $0x0;
	s20 =	sshll.u32 s4, $0x1;
	s4 =	sadd.s32 s21, s2  }
0x9d: {  	[timem:s6], [sflag:s22] =	dma.local [hbm:s4], s20  }
0x9e: {  	_ =	swait.ge [sflag:s22], s20  }
0x9f: {  	s3 =	ssub.s32 $0x0, s20;
	[sflag:s22] =	ssyncset.done $0x0  }
0xa0: {  	[sflag:s22] =	ssyncadd.s32 s3;
	_ =	sdelay $0x1  }
0xa1: {  	s23 =	simm.s32 $0x1B8B  }
0xa2: {  	_ =	swait.ge [sflag:s23], $0x1  }
0xa3: {  	[sflag:s23] =	ssyncset.done $0x0  }
0xa4: {  	s25 =	simm.s32 $0x1B8E;
	s24 =	sld [smem:$0x3FFE];
	[sflag:s23] =	ssyncadd.s32 $0xFFFFFFFF  }
0xa5: {  	s26 =	simm.s32 $execute0_lowered;
	[smem:$0x3FD2] =	sst s25  }
0xa6: {  	s4 =	sshll.u32 s26, $0x1;
	_ =	strace $0x80000049;
	[dreg:$0x1] =	wrdreg $0xFFFFFFFF  }
0xa7: {  	s28 =	simm.s32 $_size_execute0_lowered;
	s2 =	sadd.s32 s2, s4;
	[dreg:$0x0] =	wrdreg $0x0  }
0xa8: {  	s4 =	sshll.u32 s28, $0x1;
	[dreg:$0x2] =	wrdreg s2  }
0xa9: {  	[dreg:$0x3] =	wrdreg s4  }
0xaa: {  	[dreg:$0x4] =	wrdreg $0xC0  }
0xab: {  	_ =	task [dreg:s6], $0x5FFFF  }
0xac: {  	[dreg:$0x1] =	wrdreg $0xFFFFFFFF  }
0xad: {  	[dreg:$0x0] =	wrdreg $0x60  }
0xae: {  	[dreg:$0x2] =	wrdreg s24  }
0xaf: {  	[dreg:$0x3] =	wrdreg $0x9  }
0xb0: {  	_ =	task.clear_ibuf [dreg:s6], $0x4FFFF;
	_ =	strace $0x90000049  }
0xb1: {  	s29 =	simm.s32 $0x9;
	_ =	strace $0x8000004B  }
0xb2: {  	_ =	swait.ge [sflag:s29], $0x1  }
0xb3: {  	[sflag:s29] =	ssyncadd.s32 $0xFFFFFFFF  }
0xb4: {  	_ =	strace $0x9000004B  }
0xb5: {  	_ =	sfence  }
0xb6: {  	s30 =	sld [smem:$0x0];
	_ =	sdelay $0x2  }
0xb7: {  	s31 =	sshll.u32 s1, $0xD;
	s1 =	sshrl.u32 s1, $0x2  }
0xb8: {  	s3 =	sand.u32 $0x4000, s31;
	s1 =	sadd.s32 s1, s30  }
0xb9: {  	s0 =	sor.u32 s3, s0;
	s1 =	sshll.u32 s1, $0x11  }
0xba: {  	s0 =	sor.u32 s1, s0  }
0xbb: {  	s0 =	sadd.s32 $0x8F2B, s0  }
0xbc: {  	[sflag:s0] =	ssyncadd.remote.s32 $0x1  }
0xbd: {  	_ =	sfence.sel $0xFFFF  }
0xbe: {  	[dreg:$0x0] =	wrdreg $0xFFFFFFFF;
	(pc) =	sbr.abs _section_cstart, $3  }
0xbf: {  	[dreg:$0x1] =	wrdreg $0xFFFFFFFF  }
0xc0: {  	_ =	task.clear_ibuf [dreg:s6], $0x2FFFF;
	_ =	strace $0x9FFFFFFF  }
0xc1: {  	(tm) =	ssettm $0x7FFFFFFF  }
tec
execute0_lowered:
.L_overlay_start_1:
0x0: {  	(tag) =	ssettag $0x1  }
0x1: {  	s1 =	srdreg.scid  }
0x2: {  	s0 =	stileid.u32;
	s5 =	rddreg [dreg:$0x0]  }
0x3: {  	s2 =	simm.s32 $0x0;
	s9 =	simm.s32 $0x6400;
	s10 =	simm.s32 $0x80  }
0x4: {  	s11 =	simm.s32 $0xC800;
	s12 =	simm.s32 $0x48;
	s13 =	simm.s32 $0xE800  }
0x5: {  	s14 =	simm.s32 $0xFA00;
	s15 =	simm.s32 $0x6480;
	s16 =	simm.s32 $0x11A00  }
0x6: {  	s17 =	simm.s32 $0x12C00;
	s18 =	simm.s32 $0x14C00;
	s19 =	simm.s32 $0x15E00  }
0x7: {  	s20 =	simm.s32 $0x17E00;
	s21 =	simm.s32 $0x1;
	s4 =	sand.u32 $0x1, s1  }
0x8: {  	s22 =	simm.s32 $0x2;
	s3 =	sshll.u32 s0, $0x8;
	s6 =	sshll.u32 s4, $0x7  }
0x9: {  	s23 =	simm.s32 $0x19000;
	[smem:$0x7FF] =	sst s2;
	s6 =	sor.u32 s6, s3  }
0xa: {  	s24 =	simm.s32 $0x0;
	_ =	strace $0x8000004A;
	s7 =	smul.u32 $0x19, s6  }
0xb: {  	s8 =	ssub.s32 $0x2, s4;
	s3 =	sadd.s32 $0xF75800, s5;
	s6 =	sshll.u32 s6, $0x3  }
0xc: {  	s31 =	sshrl.u32 s8, $0x1;
	s6 =	sadd.s32 s6, s5;
	s7 =	sadd.s32 s7, s5  }
0xd: {  	s8 =	ssub.s32 s8, s31;
	s6 =	sadd.s32 $0x1400, s6;
	s4 =	sadd.s32 $0xF5C800, s7  }
0xe: {  	s5 =	sadd.s32 $0xF43800, s7;
	s7 =	smax.u32 s8, $0x1;
	s8 =	simm.s32 $0x3  }
.LBB2_1:
0xf: {  	[tilespmem:s2], [sflag:$0x3] =	stream.linear.gather [hbm4b:s4+s2], $0x6400, $0x38;
	[tilespmem:$0x1B000] =	vst v63  }
0x10: {  	_ =	swait.ge [sflag:s8], $0x6400  }
0x11: {  	[sflag:s8] =	ssyncset.done $0x0  }
0x12: {  	[sflag:s8] =	ssyncadd.s32 $0xFFFF9C00  }
0x13: {  	[tilespmem:s9], [sflag:$0x3] =	stream.linear.gather [hbm4b:s5+s2], $0x6400, $0x38;
	[tilespmem:$0x1B000] =	vst v63  }
0x14: {  	_ =	swait.ge [sflag:s8], $0x6400  }
0x15: {  	[sflag:s8] =	ssyncset.done $0x0  }
0x16: {  	[sflag:s8] =	ssyncadd.s32 $0xFFFF9C00  }
0x17: {  	[tilespmem:s11], [sflag:$0x1] =	stream.indirect.gather [hbm4b:s3+s10], $0x40, s2, s10, $0xb8;
	[tilespmem:$0x1B000] =	vst v63  }
0x18: {  	_ = 	snop  }
0x19: {  	[tilespmem:s13], [sflag:$0x1] =	stream.indirect.gather [hbm4b:s3+s12], $0x40, s10, s12, $0xb8;
	[tilespmem:$0x1B000] =	vst v63  }
0x1a: {  	_ = 	snop  }
0x1b: {  	[tilespmem:s14], [sflag:$0x1] =	stream.indirect.gather [hbm4b:s3+s10], $0x40, s9, s10, $0xb8;
	[tilespmem:$0x1B000] =	vst v63  }
0x1c: {  	s25 =	simm.s32 $0x0  }
0x1d: {  	[tilespmem:s16], [sflag:$0x1] =	stream.indirect.gather [hbm4b:s3+s12], $0x40, s15, s12, $0xb8;
	[tilespmem:$0x1B000] =	vst v63  }
.LBB2_2:
0x1e: {  	s26 =	sshllo.u32 s25, $0x1  }
0x1f: {  	s28 =	smul.u32 $0xC8, s26;
	_ =	sdelay $0x1  }
0x20: {  	[tilespmem:s17], [sflag:$0x2] =	stream.indirect.gather [hbm4b:s3+s10], $0x40, s28, s10, $0xb8;
	[tilespmem:$0x1B000] =	vst v63  }
0x21: {  	s29 =	sadd.s32 $0x80, s28  }
0x22: {  	[tilespmem:s18], [sflag:$0x2] =	stream.indirect.gather [hbm4b:s3+s12], $0x40, s29, s12, $0xb8;
	[tilespmem:$0x1B000] =	vst v63  }
0x23: {  	s29 =	sadd.s32 $0x6400, s28  }
0x24: {  	[tilespmem:s19], [sflag:$0x2] =	stream.indirect.gather [hbm4b:s3+s10], $0x40, s29, s10, $0xb8;
	[tilespmem:$0x1B000] =	vst v63  }
0x25: {  	s28 =	sadd.s32 $0x6480, s28  }
0x26: {  	[tilespmem:s20], [sflag:$0x2] =	stream.indirect.gather [hbm4b:s3+s12], $0x40, s28, s12, $0xb8;
	[tilespmem:$0x1B000] =	vst v63  }
0x27: {  	_ =	swait.ge [sflag:s21], $0x2000  }
0x28: {  	[sflag:s21] =	ssyncset.done $0x0  }
0x29: {  	[sflag:s21] =	ssyncadd.s32 $0xFFFFE000  }
0x2a: {  	_ =	swait.ge [sflag:s21], $0x1200  }
0x2b: {  	[sflag:s21] =	ssyncset.done $0x0  }
0x2c: {  	[sflag:s21] =	ssyncadd.s32 $0xFFFFEE00  }
0x2d: {  	_ =	swait.ge [sflag:s21], $0x2000  }
0x2e: {  	[sflag:s21] =	ssyncset.done $0x0  }
0x2f: {  	[sflag:s21] =	ssyncadd.s32 $0xFFFFE000  }
0x30: {  	_ =	swait.ge [sflag:s21], $0x1200  }
0x31: {  	[sflag:s21] =	ssyncset.done $0x0  }
0x32: {  	s28 =	simm.s32 $0x0;
	[sflag:s21] =	ssyncadd.s32 $0xFFFFEE00  }
0x33: {  	v3 =	vld [tilespmem:s28+$0xC980]  }
0x34: {  	v4 =	vld [tilespmem:s28+$0xC990]  }
0x35: {  	v5 =	vld [tilespmem:s28+$0xC9A0]  }
0x36: {  	v6 =	vld [tilespmem:s28+$0xC9B0]  }
0x37: {  	v0 =	vld [tilespmem:s28+$0xC9C0]  }
0x38: {  	v1 =	vld [tilespmem:s28+$0xC9D0]  }
0x39: {  	v13 =	vld [tilespmem:s28+$0xC900]  }
0x3a: {  	v15 =	vld [tilespmem:s28+$0xC910]  }
0x3b: {  	v12 =	vld [tilespmem:s28+$0xC920]  }
0x3c: {  	v14 =	vld [tilespmem:s28+$0xC930]  }
0x3d: {  	v2 =	vld [tilespmem:s28+$0xC940]  }
0x3e: {  	v9 =	vld [tilespmem:s28+$0xC880]  }
0x3f: {  	v10 =	vld [tilespmem:s28+$0xC890]  }
0x40: {  	v11 =	vld [tilespmem:s28+$0xC800]  }
0x41: {  	v17 =	vld [tilespmem:s28+$0xC810]  }
0x42: {  	v18 =	vld [tilespmem:s28+$0xC820]  }
0x43: {  	v19 =	vld [tilespmem:s28+$0xC830]  }
0x44: {  	v20 =	vld [tilespmem:s28+$0xC8A0]  }
0x45: {  	v24 =	vld [tilespmem:s28+$0xC8B0]  }
0x46: {  	v8 =	vimm.f32 $0.0e+00;
	v7 =	vld [tilespmem:s28+$0xC950]  }
0x47: {  	v16 =	vld [tilespmem:s28+$0xC8C0];
	v11 =	vadd.f32 v11, v8;
	v22 =	vadd.f32 v17, v8  }
0x48: {  	v17 =	vld [tilespmem:s28+$0xC8D0];
	v23 =	vadd.f32 v18, v8;
	v25 =	vadd.f32 v19, v8  }
0x49: {  	v18 =	vld [tilespmem:s28+$0xC840];
	v21 =	vadd.f32 v9, v11;
	v22 =	vadd.f32 v10, v22  }
0x4a: {  	v19 =	vld [tilespmem:s28+$0xC850];
	v23 =	vadd.f32 v20, v23;
	v24 =	vadd.f32 v24, v25  }
0x4b: {  	s29 =	simm.s32 $0x800;
	v20 =	vld [tilespmem:s28+$0xC860];
	v11 =	vimm.f32 $0.0e+00;
	v10 =	vimm.f32 $0.0e+00;
	v9 =	vimm.f32 $0.0e+00  }
.LBB2_3:
0x4c: {  	p0 =	sne.s32 s29, $0x18800;
	v25 =	vld [tilespmem:s28+$0xC870];
	v13 =	vadd.f32 v13, v21;
	v15 =	vadd.f32 v15, v22  }
0x4d: {  	v21 =	vld [tilespmem:s28+$0xC8E0];
	v12 =	vadd.f32 v12, v23;
	v14 =	vadd.f32 v14, v24  }
0x4e: {  	v22 =	vld [tilespmem:s28+$0xC8F0];
	v23 =	vadd.f32 v3, v13;
	v24 =	vadd.f32 v4, v15  }
0x4f: {  	v13 =	vld [tilespmem:s28+$0xC960];
	v26 =	vadd.f32 v5, v12;
	v27 =	vadd.f32 v6, v14  }
0x50: {  	v3 =	vadd.f32 v18, v8;
	v4 =	vadd.f32 v19, v11;
	v6 =	vld [tilespmem:s28+$0xC970]  }
0x51: {  	v5 =	vadd.f32 v20, v10;
	v8 =	vadd.f32 v25, v9;
	v9 =	vld [tilespmem:s28+$0xC9E0]  }
0x52: {  	v10 =	vadd.f32 v16, v3;
	v11 =	vadd.f32 v17, v4;
	v12 =	vld [tilespmem:s28+$0xC9F0];
	s28 =	sshra.s32 s29, $0x2  }
0x53: {  	v14 =	vadd.f32 v21, v5;
	v3 =	vld [tilespmem:s28+$0xC980];
	v8 =	vadd.f32 v22, v8  }
0x54: {  	v2 =	vadd.f32 v2, v10;
	v7 =	vadd.f32 v7, v11;
	v4 =	vld [tilespmem:s28+$0xC990]  }
0x55: {  	v10 =	vadd.f32 v13, v14;
	v5 =	vld [tilespmem:s28+$0xC9A0];
	v13 =	vadd.f32 v6, v8  }
0x56: {  	v8 =	vadd.f32 v0, v2;
	v11 =	vadd.f32 v1, v7;
	v6 =	vld [tilespmem:s28+$0xC9B0]  }
0x57: {  	v10 =	vadd.f32 v9, v10;
	v0 =	vld [tilespmem:s28+$0xC9C0];
	v9 =	vadd.f32 v12, v13  }
0x58: {  	v1 =	vld [tilespmem:s28+$0xC9D0]  }
0x59: {  	v13 =	vld [tilespmem:s28+$0xC900]  }
0x5a: {  	v15 =	vld [tilespmem:s28+$0xC910]  }
0x5b: {  	v12 =	vld [tilespmem:s28+$0xC920]  }
0x5c: {  	v14 =	vld [tilespmem:s28+$0xC930]  }
0x5d: {  	v2 =	vld [tilespmem:s28+$0xC940]  }
0x5e: {  	v7 =	vld [tilespmem:s28+$0xC950]  }
0x5f: {  	v20 =	vld [tilespmem:s28+$0xC880]  }
0x60: {  	v22 =	vld [tilespmem:s28+$0xC890]  }
0x61: {  	v17 =	vld [tilespmem:s28+$0xC800]  }
0x62: {  	v18 =	vld [tilespmem:s28+$0xC810]  }
0x63: {  	v19 =	vld [tilespmem:s28+$0xC820]  }
0x64: {  	v21 =	vld [tilespmem:s28+$0xC830]  }
0x65: {  	v25 =	vld [tilespmem:s28+$0xC8A0]  }
0x66: {  	v28 =	vld [tilespmem:s28+$0xC8B0]  }
.Ltmp0:
0x67: {  	v16 =	vld [tilespmem:s28+$0xC8C0];
	(pc) =	sbr.rel @p0 .LBB2_3-.Ltmp0, $4  }
0x68: {  	v23 =	vadd.f32 v17, v23;
	v24 =	vadd.f32 v18, v24;
	v17 =	vld [tilespmem:s28+$0xC8D0]  }
0x69: {  	v26 =	vadd.f32 v19, v26;
	v27 =	vadd.f32 v21, v27;
	v18 =	vld [tilespmem:s28+$0xC840]  }
0x6a: {  	v21 =	vadd.f32 v20, v23;
	v22 =	vadd.f32 v22, v24;
	v19 =	vld [tilespmem:s28+$0xC850]  }
0x6b: {  	s29 =	sadd.s32 $0x800, s29;
	v23 =	vadd.f32 v25, v26;
	v20 =	vld [tilespmem:s28+$0xC860];
	v24 =	vadd.f32 v28, v27  }
0x6c: {  	v13 =	vadd.f32 v13, v21;
	v15 =	vadd.f32 v15, v22  }
0x6d: {  	v21 =	vld [tilespmem:s28+$0xC870];
	v12 =	vadd.f32 v12, v23;
	v14 =	vadd.f32 v14, v24  }
0x6e: {  	v22 =	vld [tilespmem:s28+$0xC8E0];
	v3 =	vadd.f32 v3, v13;
	v4 =	vadd.f32 v4, v15  }
0x6f: {  	v13 =	vld [tilespmem:s28+$0xC8F0];
	v8 =	vadd.f32 v18, v8;
	v5 =	vadd.f32 v5, v12  }
0x70: {  	v12 =	vld [tilespmem:s28+$0xC960];
	v6 =	vadd.f32 v6, v14;
	v11 =	vadd.f32 v19, v11  }
0x71: {  	v14 =	vld [tilespmem:s28+$0xC970];
	v10 =	vadd.f32 v20, v10;
	v8 =	vadd.f32 v16, v8  }
0x72: {  	v15 =	vld [tilespmem:s28+$0xC9E0];
	v9 =	vadd.f32 v21, v9;
	v11 =	vadd.f32 v17, v11  }
0x73: {  	v16 =	vld [tilespmem:s28+$0xC9F0];
	v10 =	vadd.f32 v22, v10;
	v2 =	vadd.f32 v2, v8  }
0x74: {  	v8 =	vadd.f32 v13, v9;
	v7 =	vadd.f32 v7, v11  }
0x75: {  	v9 =	vadd.f32 v12, v10;
	v0 =	vadd.f32 v0, v2  }
0x76: {  	v2 =	vadd.f32 v14, v8;
	v1 =	vadd.f32 v1, v7  }
0x77: {  	s28 =	sshll.u32 s25, $0x7;
	v7 =	vadd.f32 v15, v9;
	v0 =	vadd.f32 v0, v3  }
0x78: {  	s28 =	sand.u32 $0x3FFFFF80, s28;
	v2 =	vadd.f32 v16, v2;
	v1 =	vadd.f32 v1, v4  }
0x79: {  	p0 =	seq.s32 s25, $0x3F;
	[tilespmem:s28+$0x19000] =	vst v0;
	v0 =	vadd.f32 v7, v5  }
0x7a: {  	s29 =	smul.u32 @!p0 $0x190, s25;
	[tilespmem:s28+$0x19010] =	vst v1;
	v1 =	vadd.f32 v2, v6  }
0x7b: {  	[tilespmem:s28+$0x19020] =	vst v0  }
0x7c: {  	s30 =	simm.s32 @!p0 $0x80;
	s31 =	simm.s32 @!p0 $0xC800;
	[tilespmem:s28+$0x19030] =	vst v1;
	s28 =	sadd.s32 @!p0 $0x190, s29  }
0x7d: {  	[tilespmem:s31], [sflag:$0x1] =	stream.indirect.gather @!p0 [hbm4b:s3+s30], $0x40, s28, s30, $0xb8;
	[tilespmem:$0x1B000] =	vst v63  }
0x7e: {  	s1 =	simm.s32 @!p0 $0xE800;
	s28 =	sadd.s32 @!p0 $0x210, s29;
	s31 =	simm.s32 @!p0 $0x48  }
0x7f: {  	[tilespmem:s1], [sflag:$0x1] =	stream.indirect.gather @!p0 [hbm4b:s3+s31], $0x40, s28, s31, $0xb8;
	[tilespmem:$0x1B000] =	vst v63  }
0x80: {  	s1 =	sadd.s32 @!p0 $0x6590, s29;
	s28 =	simm.s32 @!p0 $0xFA00  }
0x81: {  	[tilespmem:s28], [sflag:$0x1] =	stream.indirect.gather @!p0 [hbm4b:s3+s30], $0x40, s1, s30, $0xb8;
	[tilespmem:$0x1B000] =	vst v63  }
0x82: {  	s1 =	sadd.s32 @!p0 $0x6610, s29;
	s28 =	simm.s32 @!p0 $0x11A00  }
0x83: {  	[tilespmem:s28], [sflag:$0x1] =	stream.indirect.gather @!p0 [hbm4b:s3+s31], $0x40, s1, s31, $0xb8;
	[tilespmem:$0x1B000] =	vst v63  }
0x84: {  	_ =	swait.ge [sflag:s22], $0x2000  }
0x85: {  	[sflag:s22] =	ssyncset.done $0x0  }
0x86: {  	[sflag:s22] =	ssyncadd.s32 $0xFFFFE000  }
0x87: {  	_ =	swait.ge [sflag:s22], $0x1200  }
0x88: {  	[sflag:s22] =	ssyncset.done $0x0  }
0x89: {  	[sflag:s22] =	ssyncadd.s32 $0xFFFFEE00  }
0x8a: {  	_ =	swait.ge [sflag:s22], $0x2000  }
0x8b: {  	[sflag:s22] =	ssyncset.done $0x0  }
0x8c: {  	[sflag:s22] =	ssyncadd.s32 $0xFFFFE000  }
0x8d: {  	_ =	swait.ge [sflag:s22], $0x1200  }
0x8e: {  	[sflag:s22] =	ssyncset.done $0x0  }
0x8f: {  	s28 =	simm.s32 $0x0;
	[sflag:s22] =	ssyncadd.s32 $0xFFFFEE00  }
0x90: {  	v3 =	vld [tilespmem:s28+$0x12D80]  }
0x91: {  	v4 =	vld [tilespmem:s28+$0x12D90]  }
0x92: {  	v5 =	vld [tilespmem:s28+$0x12DA0]  }
0x93: {  	v6 =	vld [tilespmem:s28+$0x12DB0]  }
0x94: {  	v0 =	vld [tilespmem:s28+$0x12DC0]  }
0x95: {  	v1 =	vld [tilespmem:s28+$0x12DD0]  }
0x96: {  	v13 =	vld [tilespmem:s28+$0x12D00]  }
0x97: {  	v15 =	vld [tilespmem:s28+$0x12D10]  }
0x98: {  	v12 =	vld [tilespmem:s28+$0x12D20]  }
0x99: {  	v14 =	vld [tilespmem:s28+$0x12D30]  }
0x9a: {  	v2 =	vld [tilespmem:s28+$0x12D40]  }
0x9b: {  	v9 =	vld [tilespmem:s28+$0x12C80]  }
0x9c: {  	v10 =	vld [tilespmem:s28+$0x12C90]  }
0x9d: {  	v11 =	vld [tilespmem:s28+$0x12C00]  }
0x9e: {  	v17 =	vld [tilespmem:s28+$0x12C10]  }
0x9f: {  	v18 =	vld [tilespmem:s28+$0x12C20]  }
0xa0: {  	v19 =	vld [tilespmem:s28+$0x12C30]  }
0xa1: {  	v20 =	vld [tilespmem:s28+$0x12CA0]  }
0xa2: {  	v24 =	vld [tilespmem:s28+$0x12CB0]  }
0xa3: {  	v8 =	vimm.f32 $0.0e+00;
	v7 =	vld [tilespmem:s28+$0x12D50]  }
0xa4: {  	v16 =	vld [tilespmem:s28+$0x12CC0];
	v11 =	vadd.f32 v11, v8;
	v22 =	vadd.f32 v17, v8  }
0xa5: {  	v17 =	vld [tilespmem:s28+$0x12CD0];
	v23 =	vadd.f32 v18, v8;
	v25 =	vadd.f32 v19, v8  }
0xa6: {  	v18 =	vld [tilespmem:s28+$0x12C40];
	v21 =	vadd.f32 v9, v11;
	v22 =	vadd.f32 v10, v22  }
0xa7: {  	v19 =	vld [tilespmem:s28+$0x12C50];
	v23 =	vadd.f32 v20, v23;
	v24 =	vadd.f32 v24, v25  }
0xa8: {  	s29 =	simm.s32 $0x800;
	v20 =	vld [tilespmem:s28+$0x12C60];
	v11 =	vimm.f32 $0.0e+00;
	v10 =	vimm.f32 $0.0e+00;
	v9 =	vimm.f32 $0.0e+00  }
.LBB2_5:
0xa9: {  	p0 =	sne.s32 s29, $0x18800;
	v25 =	vld [tilespmem:s28+$0x12C70];
	v13 =	vadd.f32 v13, v21;
	v15 =	vadd.f32 v15, v22  }
0xaa: {  	v21 =	vld [tilespmem:s28+$0x12CE0];
	v12 =	vadd.f32 v12, v23;
	v14 =	vadd.f32 v14, v24  }
0xab: {  	v22 =	vld [tilespmem:s28+$0x12CF0];
	v23 =	vadd.f32 v3, v13;
	v24 =	vadd.f32 v4, v15  }
0xac: {  	v13 =	vld [tilespmem:s28+$0x12D60];
	v26 =	vadd.f32 v5, v12;
	v27 =	vadd.f32 v6, v14  }
0xad: {  	v3 =	vadd.f32 v18, v8;
	v4 =	vadd.f32 v19, v11;
	v6 =	vld [tilespmem:s28+$0x12D70]  }
0xae: {  	v5 =	vadd.f32 v20, v10;
	v8 =	vadd.f32 v25, v9;
	v9 =	vld [tilespmem:s28+$0x12DE0]  }
0xaf: {  	v10 =	vadd.f32 v16, v3;
	v11 =	vadd.f32 v17, v4;
	v12 =	vld [tilespmem:s28+$0x12DF0];
	s28 =	sshra.s32 s29, $0x2  }
0xb0: {  	v14 =	vadd.f32 v21, v5;
	v3 =	vld [tilespmem:s28+$0x12D80];
	v8 =	vadd.f32 v22, v8  }
0xb1: {  	v2 =	vadd.f32 v2, v10;
	v7 =	vadd.f32 v7, v11;
	v4 =	vld [tilespmem:s28+$0x12D90]  }
0xb2: {  	v10 =	vadd.f32 v13, v14;
	v5 =	vld [tilespmem:s28+$0x12DA0];
	v13 =	vadd.f32 v6, v8  }
0xb3: {  	v8 =	vadd.f32 v0, v2;
	v11 =	vadd.f32 v1, v7;
	v6 =	vld [tilespmem:s28+$0x12DB0]  }
0xb4: {  	v10 =	vadd.f32 v9, v10;
	v0 =	vld [tilespmem:s28+$0x12DC0];
	v9 =	vadd.f32 v12, v13  }
0xb5: {  	v1 =	vld [tilespmem:s28+$0x12DD0]  }
0xb6: {  	v13 =	vld [tilespmem:s28+$0x12D00]  }
0xb7: {  	v15 =	vld [tilespmem:s28+$0x12D10]  }
0xb8: {  	v12 =	vld [tilespmem:s28+$0x12D20]  }
0xb9: {  	v14 =	vld [tilespmem:s28+$0x12D30]  }
0xba: {  	v2 =	vld [tilespmem:s28+$0x12D40]  }
0xbb: {  	v7 =	vld [tilespmem:s28+$0x12D50]  }
0xbc: {  	v20 =	vld [tilespmem:s28+$0x12C80]  }
0xbd: {  	v22 =	vld [tilespmem:s28+$0x12C90]  }
0xbe: {  	v17 =	vld [tilespmem:s28+$0x12C00]  }
0xbf: {  	v18 =	vld [tilespmem:s28+$0x12C10]  }
0xc0: {  	v19 =	vld [tilespmem:s28+$0x12C20]  }
0xc1: {  	v21 =	vld [tilespmem:s28+$0x12C30]  }
0xc2: {  	v25 =	vld [tilespmem:s28+$0x12CA0]  }
0xc3: {  	v28 =	vld [tilespmem:s28+$0x12CB0]  }
.Ltmp1:
0xc4: {  	v16 =	vld [tilespmem:s28+$0x12CC0];
	(pc) =	sbr.rel @p0 .LBB2_5-.Ltmp1, $4  }
0xc5: {  	v23 =	vadd.f32 v17, v23;
	v24 =	vadd.f32 v18, v24;
	v17 =	vld [tilespmem:s28+$0x12CD0]  }
0xc6: {  	v26 =	vadd.f32 v19, v26;
	v27 =	vadd.f32 v21, v27;
	v18 =	vld [tilespmem:s28+$0x12C40]  }
0xc7: {  	v21 =	vadd.f32 v20, v23;
	v22 =	vadd.f32 v22, v24;
	v19 =	vld [tilespmem:s28+$0x12C50]  }
0xc8: {  	s29 =	sadd.s32 $0x800, s29;
	v23 =	vadd.f32 v25, v26;
	v20 =	vld [tilespmem:s28+$0x12C60];
	v24 =	vadd.f32 v28, v27  }
0xc9: {  	v13 =	vadd.f32 v13, v21;
	v15 =	vadd.f32 v15, v22  }
0xca: {  	v51 =	vld [tilespmem:s28+$0x12C70];
	v12 =	vadd.f32 v12, v23;
	v14 =	vadd.f32 v14, v24  }
0xcb: {  	v52 =	vld [tilespmem:s28+$0x12CE0];
	v3 =	vadd.f32 v3, v13;
	v4 =	vadd.f32 v4, v15  }
0xcc: {  	v53 =	vld [tilespmem:s28+$0x12CF0];
	v8 =	vadd.f32 v18, v8;
	v5 =	vadd.f32 v5, v12  }
0xcd: {  	v54 =	vld [tilespmem:s28+$0x12D60];
	v6 =	vadd.f32 v6, v14;
	v11 =	vadd.f32 v19, v11  }
0xce: {  	v55 =	vld [tilespmem:s28+$0x12D70];
	v10 =	vadd.f32 v20, v10;
	v8 =	vadd.f32 v16, v8  }
0xcf: {  	v56 =	vld [tilespmem:s28+$0x12DE0];
	v9 =	vadd.f32 v51, v9;
	v11 =	vadd.f32 v17, v11  }
0xd0: {  	v57 =	vld [tilespmem:s28+$0x12DF0];
	v10 =	vadd.f32 v52, v10;
	v2 =	vadd.f32 v2, v8  }
0xd1: {  	v58 =	vadd.f32 v53, v9;
	v7 =	vadd.f32 v7, v11  }
0xd2: {  	v59 =	vadd.f32 v54, v10;
	v0 =	vadd.f32 v0, v2  }
0xd3: {  	s25 =	sadd.s32 $0x1, s25;
	v60 =	vadd.f32 v55, v58;
	v1 =	vadd.f32 v1, v7  }
0xd4: {  	s1 =	sshll.u32 s26, $0x6;
	p0 =	sne.s32 s25, $0x40;
	v61 =	vadd.f32 v56, v59;
	v0 =	vadd.f32 v0, v3  }
.Ltmp2:
0xd5: {  	s1 =	sand.u32 $0x3FFFFFC0, s1;
	v2 =	vadd.f32 v57, v60;
	v1 =	vadd.f32 v1, v4;
	(pc) =	sbr.rel @p0 .LBB2_2-.Ltmp2, $4  }
0xd6: {  	[tilespmem:s1+$0x19000] =	vst v0;
	v62 =	vadd.f32 v61, v5  }
0xd7: {  	[tilespmem:s1+$0x19010] =	vst v1;
	v63 =	vadd.f32 v2, v6  }
0xd8: {  	[tilespmem:s1+$0x19020] =	vst v62  }
0xd9: {  	[tilespmem:s1+$0x19030] =	vst v63  }
0xda: {  	s24 =	sadd.s32 $0x1, s24  }
0xdb: {  	p0 =	sne.s32 s24, s7  }
.Ltmp3:
0xdc: {  	_ = 	snop;
	(pc) =	sbr.rel @p0 .LBB2_1-.Ltmp3, $4  }
0xdd: {  	[hbm4b:s6+s2] =	stream.linear.scatter [tilespmem:s23], [sflag:$0x3], $0x2000, $0x38;
	[tilespmem:$0x1B000] =	vst v63  }
0xde: {  	_ =	swait.ge [sflag:s8], $0x2000  }
0xdf: {  	[sflag:s8] =	ssyncset.done $0x0  }
0xe0: {  	[sflag:s8] =	ssyncadd.s32 $0xFFFFE000  }
0xe1: {  	_ =	sfence.sel $0x180000  }
0xe2: {  	[bflag:$0x0] =	sbarrier.arrive $0xFFFF  }
0xe3: {  	_ =	strace $0x9000004A  }
0xe4: {  	[bflag:$0x2] =	sbarrier.arrive $0xFFFF  }
0xe5: {  	p0 =	sne.s32 s0, $0x0;
	s0 =	rddreg [dreg:$0x1]  }
0xe6: {  	s0 =	sadd.s32 @!p0 $0x100000, s0  }
0xe7: {  	[sflag:s0] =	ssyncadd.tile.s32 @!p0 $0x1;
	_ =	shalt  }
.Lfunc_end2:
_tile_overlayer_lowered:
.L_overlay_start_2:
0xe8: {  	(tag) =	ssettag $0x2  }
0xe9: {  	s0 =	rddreg [dreg:$0x0];
	s2 =	stileid.u32  }
0xea: {  	s1 =	rddreg [dreg:$0x1];
	p0 =	sne.s32 s2, $0x0  }
0xeb: {  	s3 =	rddreg [dreg:$0x2];
	[bflag:$0x3] =	sbarrier.arrive $0xFFFF;
	s2 =	simm.s32 @!p0 $0x1C03  }
0xec: {  	[timem:s3], [sflag:s2] =	dma.local @!p0 [hbm:s0], s1  }
0xed: {  	s0 =	simm.s32 @!p0 $0x3  }
0xee: {  	_ =	swait.ge @!p0 [sflag:s0], s1  }
0xef: {  	s1 =	ssub.s32 @!p0 $0x0, s1;
	[sflag:s0] =	ssyncset.done @!p0 $0x0  }
0xf0: {  	[sflag:s0] =	ssyncadd.s32 @!p0 s1  }
0xf1: {  	[bflag:$0x3] =	sbarrier.arrive $0xFFFF  }
0xf2: {  	_ =	shalt  }

// kernel: sparse-core-data-format-call.cloned.1.call-start
scs
called_computation_lowered:
.L_overlay_start_0:
0x0: {  	s2 =	sld [smem:$0x3FD9]  }
0x1: {  	s3 =	sld [smem:$0x3FFE];
	_ =	sdelay $0x1  }
0x2: {  	s1 =	srdreg.scid  }
0x3: {  	s0 =	sand.u32 $0x1, s1  }
0x4: {  	s18 =	sshll.u32 s0, $0xA;
	s2 =	sadd.s32 s3, s2  }
0x5: {  	s2 =	sadd.s32 s2, s18  }
0x6: {  	[smem:$0x3FC1] =	sst s2  }
0x7: {  	_ = 	snop  }
0x8: {  	s2 =	sld [smem:$0x3FC7];
	(tm) =	ssettm $0x1  }
0x9: {  	s19 =	sld [smem:$0x3FFB];
	_ =	sdelay $0x3  }
0xa: {  	_ =	strace s19  }
0xb: {  	s3 =	sld [smem:$0x3FFC];
	_ =	sdelay $0x3  }
0xc: {  	_ =	strace s3  }
0xd: {  	s3 =	sld [smem:$0x3FFD];
	_ =	sdelay $0x3  }
0xe: {  	_ =	strace s3  }
0xf: {  	_ =	strace $0x8FFFFFFF  }
0x10: {  	s20 =	sld [smem:$0x3FDB];
	_ =	sdelay $0x1  }
0x11: {  	s4 =	simm.s32 $_scs_section_size  }
0x12: {  	s5 =	simm.s32 $_size__tile_overlayer_lowered;
	s6 =	simm.s32 $_tile_overlayer_lowered  }
0x13: {  	s23 =	simm.s32 $0x1BFF;
	s22 =	sshll.u32 s6, $0x1;
	s3 =	sadd.s32 s4, s20  }
0x14: {  	s7 =	simm.s32 $0x0;
	s21 =	sshll.u32 s5, $0x1;
	s5 =	sadd.s32 s22, s3  }
0x15: {  	[timem:s7], [sflag:s23] =	dma.local [hbm:s5], s21  }
0x16: {  	_ =	swait.ge [sflag:s23], s21  }
0x17: {  	s4 =	ssub.s32 $0x0, s21;
	[sflag:s23] =	ssyncset.done $0x0  }
0x18: {  	[sflag:s23] =	ssyncadd.s32 s4;
	_ =	sdelay $0x1  }
0x19: {  	s24 =	simm.s32 $0x1B8B  }
0x1a: {  	_ =	swait.ge [sflag:s24], $0x1  }
0x1b: {  	[sflag:s24] =	ssyncset.done $0x0  }
0x1c: {  	s26 =	simm.s32 $0x1B8E;
	s25 =	sld [smem:$0x3FFE];
	[sflag:s24] =	ssyncadd.s32 $0xFFFFFFFF  }
0x1d: {  	s27 =	simm.s32 $execute0_lowered;
	[smem:$0x3FD2] =	sst s26  }
0x1e: {  	s5 =	sshll.u32 s27, $0x1;
	_ =	strace $0x80000046;
	[dreg:$0x1] =	wrdreg $0xFFFFFFFF  }
0x1f: {  	s28 =	simm.s32 $_size_execute0_lowered;
	s3 =	sadd.s32 s3, s5;
	[dreg:$0x0] =	wrdreg $0x0  }
0x20: {  	s5 =	sshll.u32 s28, $0x1;
	[dreg:$0x2] =	wrdreg s3  }
0x21: {  	[dreg:$0x3] =	wrdreg s5  }
0x22: {  	[dreg:$0x4] =	wrdreg $0xC0  }
0x23: {  	_ =	task [dreg:s7], $0x5FFFF  }
0x24: {  	[dreg:$0x1] =	wrdreg $0xFFFFFFFF  }
0x25: {  	[dreg:$0x0] =	wrdreg $0x60  }
0x26: {  	[dreg:$0x2] =	wrdreg s2  }
0x27: {  	[dreg:$0x3] =	wrdreg s25  }
0x28: {  	[dreg:$0x4] =	wrdreg $0x9  }
0x29: {  	_ =	task.clear_ibuf [dreg:s7], $0x5FFFF;
	_ =	strace $0x90000046  }
0x2a: {  	s29 =	simm.s32 $0x9;
	_ =	strace $0x80000048  }
0x2b: {  	_ =	swait.ge [sflag:s29], $0x1  }
0x2c: {  	[sflag:s29] =	ssyncadd.s32 $0xFFFFFFFF  }
0x2d: {  	_ =	strace $0x90000048  }
0x2e: {  	_ =	sfence  }
0x2f: {  	s30 =	sld [smem:$0x0];
	_ =	sdelay $0x2  }
0x30: {  	s31 =	sshll.u32 s1, $0xD;
	s1 =	sshrl.u32 s1, $0x2  }
0x31: {  	s3 =	sand.u32 $0x4000, s31;
	s1 =	sadd.s32 s1, s30  }
0x32: {  	s0 =	sor.u32 s3, s0;
	s1 =	sshll.u32 s1, $0x11  }
0x33: {  	s0 =	sor.u32 s1, s0  }
0x34: {  	s0 =	sadd.s32 $0x8F2B, s0  }
0x35: {  	[sflag:s0] =	ssyncadd.remote.s32 $0x1  }
0x36: {  	_ =	sfence.sel $0xFFFF  }
0x37: {  	[dreg:$0x0] =	wrdreg $0xFFFFFFFF;
	(pc) =	sbr.abs _section_cstart, $3  }
0x38: {  	[dreg:$0x1] =	wrdreg $0xFFFFFFFF  }
0x39: {  	_ =	task.clear_ibuf [dreg:s7], $0x2FFFF;
	_ =	strace $0x9FFFFFFF  }
0x3a: {  	(tm) =	ssettm $0x7FFFFFFF  }
0x3b: {  	_ =	shalt  }
tec
execute0_lowered:
.L_overlay_start_1:
0x0: {  	(tag) =	ssettag $0x1  }
0x1: {  	s0 =	srdreg.scid;
	s2 =	rddreg [dreg:$0x0]  }
0x2: {  	s5 =	rddreg [dreg:$0x1];
	s1 =	stileid.u32  }
0x3: {  	s4 =	simm.s32 $0x1;
	s6 =	simm.s32 $0x2;
	s15 =	simm.s32 $0x0  }
0x4: {  	p0 =	por $0x0, $0x0;
	s8 =	simm.s32 $0x80;
	s0 =	sshll.u32 s0, $0x4  }
0x5: {  	s14 =	simm.s32 $0x0;
	s9 =	simm.s32 $0x0;
	s3 =	sand.u32 $0x10, s0  }
.Ltmp0:
0x6: {  	s10 =	simm.s32 $0x0;
	s3 =	sor.u32 s1, s3;
	(pc) =	sbr.rel .LBB1_1-.Ltmp0, $4  }
0x7: {  	s0 =	rddreg [dreg:$0x2];
	_ =	strace $0x80000047;
	s3 =	sshll.u32 s3, $0x7  }
0x8: {  	s12 =	simm.s32 $0x0;
	[sflag:s4] =	ssyncpa.u1 $0x0;
	s7 =	ssub.s32 $0xF4200, s3  }
0x9: {  	s13 =	simm.s32 $0x0;
	[sflag:s6] =	ssyncpa.u1 $0x0;
	s6 =	sshrl.u32 s7, $0xC  }
0xa: {  	s5 =	sadd.s32 $0x1400, s5;
	s11 =	smov.u32 s3;
	s7 =	sadd.s32 $0x2, s6  }
.LBB1_5:
0xb: {  	p1 =	slt.u32 s13, $0x2  }
0xc: {  	s17 =	smov.u32 s15;
	p2 =	sgt.s32 @!p1 s15, $0xF41C0;
	s16 =	sshra.s32 @!p1 s15, $0x1F  }
0xd: {  	p3 =	sgt.s32 @!p1 s14, $0x40;
	s18 =	sshra.s32 @!p1 s14, $0x1F;
	p2 =	por !p2, p1  }
0xe: {  	s15 =	sand.u32 @!p1 s16, s15;
	p3 =	por !p3, p1;
	s16 =	smov.u32 s14  }
0xf: {  	s14 =	sand.u32 @!p1 s18, s14;
	s17 =	simm.s32 @p2 $0xF41C0;
	s16 =	simm.s32 @p3 $0x40  }
0x10: {  	s15 =	ssub.s32 @!p1 s17, s15;
	s14 =	ssub.s32 @!p1 s16, s14  }
0x11: {  	s18 =	smov.u32 s12;
	s16 =	sadd.s32 @!p1 $0xFFF0BE40, s15;
	s17 =	sadd.s32 @!p1 $0xFFFFFFC0, s14  }
0x12: {  	s15 =	ssub.s32 @!p1 $0xF4240, s15;
	p2 =	sgt.s32 @!p1 s16, $0x7F;
	p3 =	sgt.s32 @!p1 s17, $0x3F  }
0x13: {  	s14 =	ssub.s32 @!p1 $0x80, s14;
	p2 =	por !p2, p1;
	p3 =	por !p3, p1  }
0x14: {  	s16 =	sadd.s32 $0x1000, s11;
	s15 =	simm.s32 @!p2 $0x0;
	s14 =	simm.s32 @!p3 $0x0  }
0x15: {  	p2 =	sgt.s32 s16, $0xF423F;
	s14 =	smul.u32 @!p1 s14, s15;
	s15 =	sadd.s32 $0x40, s12  }
0x16: {  	s18 =	smov.u32 @p2 s15  }
0x17: {  	s16 =	smov.u32 @p2 s3;
	p2 =	sgt.s32 s18, $0x3F  }
0x18: {  	s18 =	simm.s32 @p2 $0x0;
	p2 =	sne.s32 s13, s7  }
.Ltmp1:
0x19: {  	p0 =	por !p0, !p0;
	s17 =	simm.s32 @!p1 $0x2;
	(pc) =	sbr.rel @!p2 .LBB1_6-.Ltmp1, $4  }
0x1a: {  	s15 =	smov.u32 s9;
	s9 =	smov.u32 s11;
	s14 =	sand.u32 @!p1 $0x3FFFFFFF, s14  }
0x1b: {  	s11 =	smov.u32 s16;
	_ =	swait.ge @!p1 [sflag:s17], s14;
	s19 =	ssub.s32 @!p1 $0x0, s14  }
0x1c: {  	s14 =	smov.u32 s10;
	s13 =	sadd.s32 $0x1, s13;
	[sflag:s17] =	ssyncset.done @!p1 $0x0  }
0x1d: {  	s10 =	smov.u32 s12;
	s12 =	smov.u32 s18;
	[sflag:s17] =	ssyncadd.s32 @!p1 s19  }
.LBB1_1:
0x1e: {  	p1 =	sgt.u32 s13, s6  }
0x1f: {  	s16 =	sshrl.u32 @!p1 s12, $0x3  }
0x20: {  	s17 =	sshll.u32 @!p1 s11, $0x3;
	s16 =	smul.u32 @!p1 $0x7A1400, s16  }
0x21: {  	s18 =	sshll.u32 @!p1 s12, $0x7;
	s17 =	sand.u32 @!p1 $0xFFFFFC00, s17  }
0x22: {  	s16 =	sadd.s32 @!p1 s16, s17;
	s17 =	sand.u32 @!p1 $0x380, s18  }
0x23: {  	s18 =	sand.u32 @!p1 $0x7F, s11;
	s16 =	sor.u32 @!p1 s17, s16  }
0x24: {  	s17 =	sor.u32 @!p1 s18, s16  }
0x25: {  	s18 =	smulhi.u32 @!p1 $0x218D6287, s17;
	_ =	sdelay $0x1  }
0x26: {  	s16 =	smulhi.u32 @!p1 $0x218D6287, s16;
	s18 =	sshrl.u32 @!p1 s18, $0x11  }
0x27: {  	s18 =	smul.u32 @!p1 $0xF4280, s18  }
0x28: {  	s19 =	sxor.u32 @!p1 $0xFFFFFFFF, s13;
	s16 =	sshrl.u32 @!p1 s16, $0x11  }
0x29: {  	s19 =	sshll.u32 @!p1 s19, $0xD;
	s16 =	sand.u32 @!p1 $0x3F, s16;
	s17 =	ssub.s32 @!p1 s17, s18  }
0x2a: {  	s16 =	smul.u32 @!p1 $0x1E850, s16;
	s18 =	sshrl.u32 @!p1 s17, $0x3;
	s17 =	sand.u32 @!p1 $0x7, s17  }
0x2b: {  	s19 =	sand.u32 @!p1 $0x2000, s19;
	s18 =	sadd.s32 @!p1 s2, s18;
	s17 =	sshll.u32 @!p1 s17, $0x12  }
0x2c: {  	s16 =	sadd.s32 @!p1 s16, s18;
	s17 =	sor.u32 @!p1 $0x400, s17;
	s18 =	simm.s32 @!p1 $0x7A1400  }
0x2d: {  	[tilespmem:s19], [sflag:$0x1] =	stream.strided.gather @!p1 [hbm4b:s16+s17], $0x2000, s18, s17, $0x38;
	[tilespmem:$0x8100] =	vst v63  }
0x2e: {  	p1 =	seq.s32 s13, $0x0  }
0x2f: {  	p2 =	sge.u32 @!p1 s13, s7  }
0x30: {  	p1 =	por p1, p2  }
.Ltmp2:
0x31: {  	_ = 	snop;
	(pc) =	sbr.rel @p1 .LBB1_5-.Ltmp2, $1  }
0x32: {  	_ =	sdelay $0x3  }
0x33: {  	s16 =	simm.s32 $0x1  }
0x34: {  	_ =	swait.ge [sflag:s4], $0x2000;
	s16 =	simm.s32 @!p0 $0x0  }
0x35: {  	[sflag:s4] =	ssyncset.done $0x0;
	s17 =	sshll.u32 s16, $0xD  }
0x36: {  	[sflag:s4] =	ssyncadd.s32 $0xFFFFE000;
	s17 =	sor.u32 $0x40, s17  }
0x37: {  	s16 =	smul.u32 $0x8200, s16;
	v0 =	vld [tilespmem:s17+$0x30]  }
0x38: {  	v1 =	vld [tilespmem:s17+$0xFFFFFFD0]  }
0x39: {  	s16 =	sshrl.u32 s16, $0x2;
	v5 =	vld [tilespmem:s17+$0xFFFFFFE0]  }
0x3a: {  	v6 =	vld [tilespmem:s17+$0xFFFFFFF0];
	s19 =	sor.u32 $0x4000, s16  }
0x3b: {  	s31 =	sand.u32 $0x1, s13;
	v4 =	vld [tilespmem:s17+$0x0];
	s18 =	sadd.s32 $0x0, s19  }
0x3c: {  	v3 =	vld [tilespmem:s17+$0x10];
	s16 =	smul.u32 $0x8200, s31;
	[tilespmem:s18+$0x1C70 ss:$0x41] =	vst.msk $0xffff, v0  }
0x3d: {  	v2 =	vld [tilespmem:s17+$0x20];
	[tilespmem:s18+$0x410 ss:$0x41] =	vst.msk $0xffff, v1  }
0x3e: {  	s16 =	sshrl.u32 s16, $0x2;
	v1 =	vld [tilespmem:s17+$0xFFFFFFC0];
	[tilespmem:s18+$0x820 ss:$0x41] =	vst.msk $0xffff, v5;
	s17 =	sadd.s32 $0x80, s17  }
0x3f: {  	s20 =	simm.s32 $0x4;
	s21 =	simm.s32 $0x8;
	s16 =	sor.u32 $0x4000, s16;
	[tilespmem:s18+$0xC30 ss:$0x41] =	vst.msk $0xffff, v6;
	v0 =	vld [tilespmem:s17+$0x30]  }
.LBB1_3:
0x40: {  	p1 =	sne.s32 s21, $0xFC;
	v5 =	vld [tilespmem:s17+$0xFFFFFFD0];
	[tilespmem:s18+$0x1040 ss:$0x41] =	vst.msk $0xffff, v4  }
0x41: {  	v6 =	vld [tilespmem:s17+$0xFFFFFFE0];
	[tilespmem:s18+$0x1450 ss:$0x41] =	vst.msk $0xffff, v3  }
0x42: {  	s22 =	sshra.s32 s20, $0x2;
	s20 =	smov.u32 s21;
	v7 =	vld [tilespmem:s17+$0xFFFFFFF0];
	[tilespmem:s18+$0x1860 ss:$0x41] =	vst.msk $0xffff, v2  }
.Ltmp3:
0x43: {  	v4 =	vld [tilespmem:s17+$0x0];
	[tilespmem:s18+$0x0 ss:$0x41] =	vst.msk $0xffff, v1;
	s18 =	sadd.s32 s22, s19;
	(pc) =	sbr.rel @p1 .LBB1_3-.Ltmp3, $4  }
0x44: {  	v3 =	vld [tilespmem:s17+$0x10];
	[tilespmem:s18+$0x1C70 ss:$0x41] =	vst.msk $0xffff, v0  }
0x45: {  	[tilespmem:s18+$0x410 ss:$0x41] =	vst.msk $0xffff, v5;
	v2 =	vld [tilespmem:s17+$0x20]  }
0x46: {  	v1 =	vld [tilespmem:s17+$0xFFFFFFC0];
	[tilespmem:s18+$0x820 ss:$0x41] =	vst.msk $0xffff, v6;
	s17 =	sadd.s32 $0x80, s17  }
0x47: {  	s21 =	sadd.s32 $0x4, s21;
	v0 =	vld [tilespmem:s17+$0x30];
	[tilespmem:s18+$0xC30 ss:$0x41] =	vst.msk $0xffff, v7  }
0x48: {  	s21 =	sshll.u32 s9, $0x7;
	s22 =	sshll.u32 s10, $0x3;
	s20 =	sshra.s32 s20, $0x2  }
0x49: {  	p1 =	sgt.s32 s9, $0xF41C0;
	s30 =	sshra.s32 s9, $0x1F;
	s25 =	sshra.s32 s10, $0x1F  }
0x4a: {  	v5 =	vld [tilespmem:s17+$0xFFFFFFD0];
	s28 =	sshrl.u32 s10, $0x3;
	s23 =	sand.u32 $0xFFFFFC00, s21;
	s22 =	sand.u32 $0xFFFFFC00, s22  }
0x4b: {  	[tilespmem:s18+$0x1040 ss:$0x41] =	vst.msk $0xffff, v4;
	v58 =	vld [tilespmem:s17+$0xFFFFFFE0];
	s21 =	sand.u32 $0x380, s21;
	s19 =	sadd.s32 s20, s19;
	s22 =	sadd.s32 s22, s23  }
0x4c: {  	v59 =	vld [tilespmem:s17+$0xFFFFFFF0];
	[tilespmem:s18+$0x1450 ss:$0x41] =	vst.msk $0xffff, v3;
	s29 =	sor.u32 s21, s22;
	s21 =	smov.u32 s9;
	s22 =	sand.u32 s30, s9  }
0x4d: {  	v60 =	vld [tilespmem:s17+$0x0];
	[tilespmem:s18+$0x1860 ss:$0x41] =	vst.msk $0xffff, v2;
	s30 =	sand.u32 $0x7, s10;
	s20 =	sshrl.u32 s29, $0x7;
	s21 =	simm.s32 @!p1 $0xF41C0  }
0x4e: {  	v61 =	vld [tilespmem:s17+$0x10];
	[tilespmem:s18+$0x0 ss:$0x41] =	vst.msk $0xffff, v1;
	p1 =	sgt.s32 s10, $0x40;
	s24 =	ssub.s32 s21, s22;
	s21 =	smov.u32 s10  }
0x4f: {  	v62 =	vld [tilespmem:s17+$0x20];
	[tilespmem:s19+$0x1C70 ss:$0x41] =	vst.msk $0xffff, v0;
	s31 =	smulhi.u32 $0x218DEF5, s20;
	s22 =	sand.u32 s25, s10;
	s21 =	simm.s32 @!p1 $0x40  }
0x50: {  	v63 =	vld [tilespmem:s17+$0xFFFFFFC0];
	[tilespmem:s19+$0x410 ss:$0x41] =	vst.msk $0xffff, v5;
	s26 =	sadd.s32 $0xFFF0BE40, s24;
	s17 =	ssub.s32 $0xF4240, s24;
	s21 =	ssub.s32 s21, s22  }
0x51: {  	[tilespmem:s19+$0x820 ss:$0x41] =	vst.msk $0xffff, v58;
	s23 =	sshrl.u32 s31, $0xD;
	p1 =	sgt.s32 s26, $0x7F;
	s27 =	sadd.s32 $0xFFFFFFC0, s21  }
0x52: {  	[tilespmem:s19+$0xC30 ss:$0x41] =	vst.msk $0xffff, v59;
	s23 =	smul.u32 $0xF4240, s23;
	s18 =	ssub.s32 $0x80, s21;
	p2 =	sgt.s32 s27, $0x3F  }
.Ltmp4:
0x53: {  	[tilespmem:s19+$0x1040 ss:$0x41] =	vst.msk $0xffff, v60;
	s17 =	simm.s32 @p1 $0x0;
	s18 =	simm.s32 @p2 $0x0;
	(pc) =	sbr.rel .LBB1_5-.Ltmp4, $4  }
0x54: {  	s29 =	sand.u32 $0xF, s28;
	[tilespmem:s19+$0x1450 ss:$0x41] =	vst.msk $0xffff, v61;
	s20 =	ssub.s32 s20, s23;
	s17 =	smul.u32 s18, s17  }
0x55: {  	[tilespmem:s19+$0x1860 ss:$0x41] =	vst.msk $0xffff, v62;
	s21 =	sshll.u32 s30, $0x12;
	s20 =	sshll.u32 s20, $0x4;
	s18 =	sadd.s32 s5, s29  }
0x56: {  	[tilespmem:s19+$0x0 ss:$0x41] =	vst.msk $0xffff, v63;
	s31 =	sor.u32 $0x40, s21;
	s18 =	sadd.s32 s20, s18;
	s17 =	sand.u32 $0x3FFFFFFF, s17  }
0x57: {  	[hbm4b:s18+s31] =	stream.strided.scatter [tilespmem:s16], [sflag:$0x2], s17, s8, s31, $0x18;
	[tilespmem:$0x8100] =	vst v63  }
.LBB1_6:
0x58: {  	_ =	sfence.sel $0x180000  }
0x59: {  	s2 =	simm.s32 $0x1;
	[bflag:$0x0] =	sbarrier.arrive $0xFFFF  }
0x5a: {  	s31 =	simm.s32 $0x2;
	[sflag:s2] =	ssyncpa.u1 $0x1  }
0x5b: {  	[sflag:s31] =	ssyncpa.u1 $0x1  }
0x5c: {  	p0 =	sne.s32 s1, $0x0;
	_ =	strace $0x90000047  }
0x5d: {  	s0 =	sadd.s32 @!p0 $0x100000, s0;
	[bflag:$0x2] =	sbarrier.arrive $0xFFFF  }
0x5e: {  	[sflag:s0] =	ssyncadd.tile.s32 @!p0 $0x1;
	_ =	shalt  }
.Lfunc_end1:
_tile_overlayer_lowered:
.L_overlay_start_2:
0x5f: {  	(tag) =	ssettag $0x2  }
0x60: {  	s0 =	rddreg [dreg:$0x0];
	s2 =	stileid.u32  }
0x61: {  	s1 =	rddreg [dreg:$0x1];
	p0 =	sne.s32 s2, $0x0  }
0x62: {  	s3 =	rddreg [dreg:$0x2];
	[bflag:$0x3] =	sbarrier.arrive $0xFFFF;
	s2 =	simm.s32 @!p0 $0x1C01  }
0x63: {  	[timem:s3], [sflag:s2] =	dma.local @!p0 [hbm:s0], s1  }
0x64: {  	s0 =	simm.s32 @!p0 $0x1  }
0x65: {  	_ =	swait.ge @!p0 [sflag:s0], s1  }
0x66: {  	s1 =	ssub.s32 @!p0 $0x0, s1;
	[sflag:s0] =	ssyncset.done @!p0 $0x0  }
0x67: {  	[sflag:s0] =	ssyncadd.s32 @!p0 s1  }
0x68: {  	[bflag:$0x3] =	sbarrier.arrive $0xFFFF  }
0x69: {  	_ =	shalt  }

</sc_bundles>
